<compile_context>
chip_gen: v7x
topology: tpu7x:2x2x1
jax: 0.10.2.dev20260603
libtpu: 0.0.44.dev20260713+nightly
codegen_flags: <defaults>
</compile_context>

<pallas_src>
import dataclasses

import jax
import jax.numpy as jnp
from jax import lax
from jax.experimental import pallas as pl
from jax.experimental.pallas import tpu as pltpu
from jax.experimental.pallas import tpu_sc as plsc

N = 10000
E = 320000
D = 128

NC = 2
NS = 16
NW = NC * NS

K_CH = 128
E_PW = 10240
E_PAD = E_PW * NW
N_CHUNKS = E_PW // K_CH

N_S = 10112
ROWS_PER_SUB = N_S // NS

DGR = 80

PREP_BLK = 1000
FIN_BLK = 2048
FIN_GRID = 5


def _prep_body(x_ref, wl_ref, wr_ref, b_ref, h_ref, r_ref):
    xb = x_ref[...]
    h_ref[...] = lax.dot_general(
        xb, wl_ref[...], (((1,), (1,)), ((), ())),
        preferred_element_type=jnp.float32,
        precision=lax.Precision.HIGHEST)
    r_ref[...] = lax.dot_general(
        xb, wr_ref[...], (((1,), (1,)), ((), ())),
        preferred_element_type=jnp.float32,
        precision=lax.Precision.HIGHEST) + b_ref[...]


def _tc_prep(x, W_l, W_r, b_l):
    return pl.pallas_call(
        _prep_body,
        grid=(N // PREP_BLK,),
        in_specs=[
            pl.BlockSpec((PREP_BLK, D), lambda i: (i, 0)),
            pl.BlockSpec((D, D), lambda i: (0, 0)),
            pl.BlockSpec((D, D), lambda i: (0, 0)),
            pl.BlockSpec((1, D), lambda i: (0, 0)),
        ],
        out_specs=[
            pl.BlockSpec((PREP_BLK, D), lambda i: (i, 0)),
            pl.BlockSpec((PREP_BLK, D), lambda i: (i, 0)),
        ],
        out_shape=[
            jax.ShapeDtypeStruct((N, D), jnp.float32),
            jax.ShapeDtypeStruct((N, D), jnp.float32),
        ],
    )(x, W_l, W_r, b_l)


GRP = 8


def _sc_body(src_hbm, dst_hbm, h_hbm, s_out,
             srcst, dstst, rows0, rows1, s_sh, sem0, sem1):
    cid = lax.axis_index("c")
    sid = lax.axis_index("s")

    @pl.loop(0, K_CH)
    def _(i):
        for j in range(D // 16):
            rows0[i, pl.ds(j * 16, 16)] = jnp.zeros((16,), jnp.float32)

    @pl.loop(0, ROWS_PER_SUB // K_CH)
    def _(i):
        base = sid * ROWS_PER_SUB + i * K_CH
        pltpu.sync_copy(rows0, s_sh.at[pl.ds(base, K_CH)])

    zrem = ROWS_PER_SUB % K_CH
    if zrem:
        rbase = sid * ROWS_PER_SUB + (ROWS_PER_SUB // K_CH) * K_CH
        pltpu.sync_copy(rows0.at[pl.ds(0, zrem)], s_sh.at[pl.ds(rbase, zrem)])

    plsc.subcore_barrier()

    wid = cid * NS + sid
    row0 = wid * N_CHUNKS

    @pl.loop(0, N_CHUNKS // GRP)
    def _(g):
        gbase = row0 + g * GRP
        pltpu.sync_copy(src_hbm.at[pl.ds(gbase, GRP)], srcst)
        pltpu.sync_copy(dst_hbm.at[pl.ds(gbase, GRP)], dstst)

        pltpu.async_copy(h_hbm.at[srcst.at[0]], rows0, sem0)
        pltpu.async_copy(h_hbm.at[srcst.at[1]], rows1, sem1)

        @pl.loop(0, GRP, step=2)
        def _(j):
            for b, (rbuf, sem) in enumerate(((rows0, sem0), (rows1, sem1))):
                jj = j + b
                pltpu.make_async_copy(h_hbm.at[srcst.at[jj]], rbuf, sem).wait()
                pltpu.sync_copy(rbuf, s_sh.at[dstst.at[jj]], add=True)

                @pl.when(jj + 2 < GRP)
                def _():
                    pltpu.async_copy(h_hbm.at[srcst.at[jj + 2]], rbuf, sem)

    plsc.subcore_barrier()

    lo = sid * ROWS_PER_SUB
    pltpu.sync_copy(s_sh.at[pl.ds(lo, ROWS_PER_SUB)],
                    s_out.at[cid, pl.ds(lo, ROWS_PER_SUB)])


def _deg_sc_body(dst_hbm, d_out, dstall, deg):
    cid = lax.axis_index("c")
    sid = lax.axis_index("s")
    wid = cid * NS + sid
    one16 = jnp.ones((16,), jnp.float32)

    @pl.loop(0, DGR)
    def _(i):
        for j in range(D // 16):
            deg[i, pl.ds(j * 16, 16)] = jnp.zeros((16,), jnp.float32)

    pltpu.sync_copy(dst_hbm.at[pl.ds(wid * N_CHUNKS, N_CHUNKS)], dstall)

    @pl.loop(0, N_CHUNKS)
    def _(i):
        for k in range(K_CH // 16):
            idx = dstall[i, pl.ds(k * 16, 16)]
            plsc.addupdate_scatter(
                deg, [lax.shift_right_logical(idx, 7),
                      lax.bitwise_and(idx, 127)], one16)

    pltpu.sync_copy(deg, d_out.at[wid])


def _sc_compiler_params():
    cp = pltpu.CompilerParams()
    if "needs_layout_passes" in pltpu.CompilerParams.__dataclass_fields__:
        cp = dataclasses.replace(cp, needs_layout_passes=False)
    return cp


def _sc_aggregate(src2d, dst2d, h):
    mesh = plsc.VectorSubcoreMesh(core_axis_name="c", subcore_axis_name="s")
    kfn = pl.kernel(
        _sc_body,
        out_type=jax.ShapeDtypeStruct((NC, N_S, D), jnp.float32),
        mesh=mesh,
        scratch_types=[
            pltpu.VMEM((GRP, 128), jnp.int32),
            pltpu.VMEM((GRP, 128), jnp.int32),
            pltpu.VMEM((K_CH, D), jnp.float32),
            pltpu.VMEM((K_CH, D), jnp.float32),
            pltpu.VMEM_SHARED((N_S, D), jnp.float32),
            pltpu.SemaphoreType.DMA,
            pltpu.SemaphoreType.DMA,
        ],
        compiler_params=_sc_compiler_params(),
    )
    return kfn(src2d, dst2d, h)


def _sc_degree(dst2d):
    mesh = plsc.VectorSubcoreMesh(core_axis_name="c", subcore_axis_name="s")
    kfn = pl.kernel(
        _deg_sc_body,
        out_type=jax.ShapeDtypeStruct((NW, DGR, D), jnp.float32),
        mesh=mesh,
        scratch_types=[
            pltpu.VMEM((N_CHUNKS, 128), jnp.int32),
            pltpu.VMEM((DGR, D), jnp.float32),
        ],
        compiler_params=_sc_compiler_params(),
    )
    return kfn(dst2d)


def _deg_body(d_ref, inv_ref):
    deg = jnp.sum(d_ref[...], axis=0)
    inv_ref[...] = 1.0 / jnp.maximum(deg, 1.0)


def _tc_degmerge(d_part):
    return pl.pallas_call(
        _deg_body,
        in_specs=[pl.BlockSpec((NW, DGR, D), lambda: (0, 0, 0))],
        out_specs=pl.BlockSpec((DGR, D), lambda: (0, 0)),
        out_shape=jax.ShapeDtypeStruct((DGR, D), jnp.float32),
    )(d_part)


def _final_body(s_ref, i_ref, r_ref, o_ref):
    s = s_ref[0] + s_ref[1]
    o_ref[...] = jnp.maximum(s * i_ref[...] + r_ref[...], 0.0)


def _tc_final(s_part, inv_col, r):
    return pl.pallas_call(
        _final_body,
        grid=(FIN_GRID,),
        in_specs=[
            pl.BlockSpec((NC, FIN_BLK, D), lambda i: (0, i, 0)),
            pl.BlockSpec((FIN_BLK, 1), lambda i: (i, 0)),
            pl.BlockSpec((FIN_BLK, D), lambda i: (i, 0)),
        ],
        out_specs=pl.BlockSpec((FIN_BLK, D), lambda i: (i, 0)),
        out_shape=jax.ShapeDtypeStruct((N, D), jnp.float32),
    )(s_part, inv_col, r)


@jax.jit
def kernel(x, edge_index, W_l, b_l, W_r):
    src = edge_index[0].astype(jnp.int32)
    dst = edge_index[1].astype(jnp.int32)
    pad = E_PAD - E
    src2d = jnp.concatenate(
        [src, jnp.zeros((pad,), jnp.int32)]).reshape(E_PAD // 128, 128)
    dst2d = jnp.concatenate(
        [dst, jnp.full((pad,), N, jnp.int32)]).reshape(E_PAD // 128, 128)

    d_part = _sc_degree(dst2d)
    h, r = _tc_prep(x, W_l, W_r, b_l.reshape(1, D))
    s_part = _sc_aggregate(src2d, dst2d, h)
    inv_col = _tc_degmerge(d_part).reshape(DGR * D, 1)
    return _tc_final(s_part, inv_col, r)

# --- scband reference (transcript-rebuilt; emitter-appended) ---
"""Pipeline reference for scband-gcn-8710193677018 (READ-ONLY COPY).

The authoritative reference and input builder live on the scoring server;
editing this copy changes nothing except your own understanding.
"""

import jax, jax.numpy as jnp
import numpy as np

N = 10000
E = 320000
D_IN = 128
D_OUT = 128


def setup_inputs(seed: int = 0) -> dict:
    key = jax.random.key(seed)
    k1, k2, k3, k4, k5 = jax.random.split(key, 5)
    x = jax.random.normal(k1, (N, D_IN), dtype=jnp.float32)
    edge_index = jax.random.randint(k2, (2, E), 0, N)
    # SAGEConv parameters: lin_l (applied to aggregated neighbors, has bias),
    # lin_r (applied to root/self features, no bias)
    scale = 1.0 / np.sqrt(D_IN)
    W_l = jax.random.uniform(k3, (D_OUT, D_IN), dtype=jnp.float32, minval=-scale, maxval=scale)
    b_l = jnp.zeros((D_OUT,), dtype=jnp.float32)
    W_r = jax.random.uniform(k4, (D_OUT, D_IN), dtype=jnp.float32, minval=-scale, maxval=scale)
    return {"x": x, "edge_index": edge_index, "W_l": W_l, "b_l": b_l, "W_r": W_r}


def reference(x, edge_index, W_l, b_l, W_r):
    # SAGEConv with mean aggregation:
    # out = lin_l(mean_{j in N(i)} x_j) + lin_r(x_i), then ReLU
    src = edge_index[0]
    dst = edge_index[1]
    msg = jnp.take(x, src, axis=0)                       # gather: [E, D_IN]
    agg_sum = jax.ops.segment_sum(msg, dst, num_segments=N)     # scatter-add: [N, D_IN]
    deg = jax.ops.segment_sum(jnp.ones((E,), dtype=x.dtype), dst, num_segments=N)
    agg = agg_sum / jnp.clip(deg, 1.0, None)[:, None]    # mean aggregation
    out = agg @ W_l.T + b_l + x @ W_r.T
    return jax.nn.relu(out)

if __name__ == "__main__":
    import jax
    _d = setup_inputs()
    print(jax.jit(kernel)(*tuple(_d.values())))

</pallas_src>

<mosaic_0001>
#map = affine_map<(d0, d1) -> (0, 0)>
#map1 = affine_map<(d0, d1) -> (0, 0, 0)>
module attributes {stable_mosaic.version = 14 : i64} {
  func.func @_sc_body(%arg0: i32, %arg1: i32, %arg2: memref<2560x128xi32, #tpu.memory_space<hbm>>, %arg3: memref<2560x128xi32, #tpu.memory_space<hbm>>, %arg4: memref<10000x128xf32, #tpu.memory_space<hbm>>, %arg5: memref<2x10112x128xf32, #tpu.memory_space<hbm>>, %arg6: memref<8x128xi32, #tpu.memory_space<vmem>>, %arg7: memref<8x128xi32, #tpu.memory_space<vmem>>, %arg8: memref<128x128xf32, #tpu.memory_space<vmem>>, %arg9: memref<128x128xf32, #tpu.memory_space<vmem>>, %arg10: memref<10112x128xf32, #tpu.memory_space<vmem_shared>>, %arg11: memref<!tpu.dma_semaphore, #tpu.memory_space<semaphore_mem>>, %arg12: memref<!tpu.dma_semaphore, #tpu.memory_space<semaphore_mem>>) attributes {dimension_semantics = [#tpu.dimension_semantics<core_parallel>, #tpu.dimension_semantics<subcore_parallel>], iteration_bounds = array<i64: 2, 16>, scalar_prefetch = 0 : i64, scratch_operands = 7 : i64, tpu.core_type = #tpu.core_type<sc_vector_subcore>, window_params = [{transform_indices = #map}, {transform_indices = #map}, {transform_indices = #map}, {transform_indices = #map1}]} {
    %scan3A = arith.constant 0 : i32
    %scan3A_0 = arith.constant 128 : i32
    %scan3A_1 = arith.addi %scan3A, %scan3A_0 : i32
    %scan3A_2 = arith.constant 1 : i32
    scf.for %scan3A_24 = %scan3A to %scan3A_1 step %scan3A_2  : i32 {
      %mul3A_25 = arith.constant 1 : i32
      %mul3A_26 = arith.muli %scan3A_24, %mul3A_25 : i32
      %add3A_27 = arith.constant 0 : i32
      %add3A_28 = arith.addi %add3A_27, %mul3A_26 : i32
      %broadcast_in_dim3A = arith.constant 0.000000e+00 : f32
      %broadcast_in_dim3A_29 = vector.broadcast %broadcast_in_dim3A : f32 to vector<16xf32>
      %swap3A = arith.index_cast %add3A_28 : i32 to index
      %swap3A_30 = arith.constant 0 : index
      %swap3A_31 = tpu.vector_load %arg8[%swap3A, %swap3A_30] {strides = array<i32>} : memref<128x128xf32, #tpu.memory_space<vmem>>, vector<16xf32>,
      tpu.vector_store %arg8[%swap3A, %swap3A_30], %broadcast_in_dim3A_29 {strides = array<i32>} : memref<128x128xf32, #tpu.memory_space<vmem>>, vector<16xf32>,
      %broadcast_in_dim3A_32 = arith.constant 0.000000e+00 : f32
      %broadcast_in_dim3A_33 = vector.broadcast %broadcast_in_dim3A_32 : f32 to vector<16xf32>
      %swap3A_34 = arith.index_cast %add3A_28 : i32 to index
      %swap3A_35 = arith.constant 16 : index
      %swap3A_36 = tpu.vector_load %arg8[%swap3A_34, %swap3A_35] {strides = array<i32>} : memref<128x128xf32, #tpu.memory_space<vmem>>, vector<16xf32>,
      tpu.vector_store %arg8[%swap3A_34, %swap3A_35], %broadcast_in_dim3A_33 {strides = array<i32>} : memref<128x128xf32, #tpu.memory_space<vmem>>, vector<16xf32>,
      %broadcast_in_dim3A_37 = arith.constant 0.000000e+00 : f32
      %broadcast_in_dim3A_38 = vector.broadcast %broadcast_in_dim3A_37 : f32 to vector<16xf32>
      %swap3A_39 = arith.index_cast %add3A_28 : i32 to index
      %swap3A_40 = arith.constant 32 : index
      %swap3A_41 = tpu.vector_load %arg8[%swap3A_39, %swap3A_40] {strides = array<i32>} : memref<128x128xf32, #tpu.memory_space<vmem>>, vector<16xf32>,
      tpu.vector_store %arg8[%swap3A_39, %swap3A_40], %broadcast_in_dim3A_38 {strides = array<i32>} : memref<128x128xf32, #tpu.memory_space<vmem>>, vector<16xf32>,
      %broadcast_in_dim3A_42 = arith.constant 0.000000e+00 : f32
      %broadcast_in_dim3A_43 = vector.broadcast %broadcast_in_dim3A_42 : f32 to vector<16xf32>
      %swap3A_44 = arith.index_cast %add3A_28 : i32 to index
      %swap3A_45 = arith.constant 48 : index
      %swap3A_46 = tpu.vector_load %arg8[%swap3A_44, %swap3A_45] {strides = array<i32>} : memref<128x128xf32, #tpu.memory_space<vmem>>, vector<16xf32>,
      tpu.vector_store %arg8[%swap3A_44, %swap3A_45], %broadcast_in_dim3A_43 {strides = array<i32>} : memref<128x128xf32, #tpu.memory_space<vmem>>, vector<16xf32>,
      %broadcast_in_dim3A_47 = arith.constant 0.000000e+00 : f32
      %broadcast_in_dim3A_48 = vector.broadcast %broadcast_in_dim3A_47 : f32 to vector<16xf32>
      %swap3A_49 = arith.index_cast %add3A_28 : i32 to index
      %swap3A_50 = arith.constant 64 : index
      %swap3A_51 = tpu.vector_load %arg8[%swap3A_49, %swap3A_50] {strides = array<i32>} : memref<128x128xf32, #tpu.memory_space<vmem>>, vector<16xf32>,
      tpu.vector_store %arg8[%swap3A_49, %swap3A_50], %broadcast_in_dim3A_48 {strides = array<i32>} : memref<128x128xf32, #tpu.memory_space<vmem>>, vector<16xf32>,
      %broadcast_in_dim3A_52 = arith.constant 0.000000e+00 : f32
      %broadcast_in_dim3A_53 = vector.broadcast %broadcast_in_dim3A_52 : f32 to vector<16xf32>
      %swap3A_54 = arith.index_cast %add3A_28 : i32 to index
      %swap3A_55 = arith.constant 80 : index
      %swap3A_56 = tpu.vector_load %arg8[%swap3A_54, %swap3A_55] {strides = array<i32>} : memref<128x128xf32, #tpu.memory_space<vmem>>, vector<16xf32>,
      tpu.vector_store %arg8[%swap3A_54, %swap3A_55], %broadcast_in_dim3A_53 {strides = array<i32>} : memref<128x128xf32, #tpu.memory_space<vmem>>, vector<16xf32>,
      %broadcast_in_dim3A_57 = arith.constant 0.000000e+00 : f32
      %broadcast_in_dim3A_58 = vector.broadcast %broadcast_in_dim3A_57 : f32 to vector<16xf32>
      %swap3A_59 = arith.index_cast %add3A_28 : i32 to index
      %swap3A_60 = arith.constant 96 : index
      %swap3A_61 = tpu.vector_load %arg8[%swap3A_59, %swap3A_60] {strides = array<i32>} : memref<128x128xf32, #tpu.memory_space<vmem>>, vector<16xf32>,
      tpu.vector_store %arg8[%swap3A_59, %swap3A_60], %broadcast_in_dim3A_58 {strides = array<i32>} : memref<128x128xf32, #tpu.memory_space<vmem>>, vector<16xf32>,
      %broadcast_in_dim3A_62 = arith.constant 0.000000e+00 : f32
      %broadcast_in_dim3A_63 = vector.broadcast %broadcast_in_dim3A_62 : f32 to vector<16xf32>
      %swap3A_64 = arith.index_cast %add3A_28 : i32 to index
      %swap3A_65 = arith.constant 112 : index
      %swap3A_66 = tpu.vector_load %arg8[%swap3A_64, %swap3A_65] {strides = array<i32>} : memref<128x128xf32, #tpu.memory_space<vmem>>, vector<16xf32>,
      tpu.vector_store %arg8[%swap3A_64, %swap3A_65], %broadcast_in_dim3A_63 {strides = array<i32>} : memref<128x128xf32, #tpu.memory_space<vmem>>, vector<16xf32>,
    }
    %scan3A_3 = arith.constant 128 : i32
    %scan3A_4 = arith.constant 0 : i32
    %scan3A_5 = arith.constant 4 : i32
    %scan3A_6 = arith.addi %scan3A_4, %scan3A_5 : i32
    %scan3A_7 = arith.constant 1 : i32
    scf.for %scan3A_24 = %scan3A_4 to %scan3A_6 step %scan3A_7  : i32 {
      %mul3A_25 = arith.constant 1 : i32
      %mul3A_26 = arith.muli %scan3A_24, %mul3A_25 : i32
      %add3A_27 = arith.constant 0 : i32
      %add3A_28 = arith.addi %add3A_27, %mul3A_26 : i32
      %mul3A_29 = arith.constant 632 : i32
      %mul3A_30 = arith.muli %arg1, %mul3A_29 : i32
      %mul3A_31 = arith.constant 128 : i32
      %mul3A_32 = arith.muli %add3A_28, %mul3A_31 : i32
      %add3A_33 = arith.addi %mul3A_30, %mul3A_32 : i32
      "tpu.region"() ({
        %run_scoped3A = tpu.sem_alloc : memref<!tpu.dma_semaphore, #tpu.memory_space<semaphore_mem>>
        %dma_start3A = arith.constant 0 : i32
        %dma_start3A_34 = tpu.memref_slice %arg10[%add3A_33, %dma_start3A] : memref<10112x128xf32, #tpu.memory_space<vmem_shared>> -> memref<128x128xf32, #tpu.memory_space<vmem_shared>>
        %dma_start3A_35 = arith.constant 0 : i32
        %dma_start3A_36 = tpu.memref_slice %arg10[%add3A_33, %dma_start3A_35] : memref<10112x128xf32, #tpu.memory_space<vmem_shared>> -> memref<128x128xf32, #tpu.memory_space<vmem_shared>>
        tpu.enqueue_dma source(%arg8 : memref<128x128xf32, #tpu.memory_space<vmem>>) target(%dma_start3A_36 : memref<128x128xf32, #tpu.memory_space<vmem_shared>>) target_semaphore(%run_scoped3A : memref<!tpu.dma_semaphore, #tpu.memory_space<semaphore_mem>>)
        %dma_wait3A = arith.constant 0 : i32
        %dma_wait3A_37 = tpu.memref_slice %arg10[%add3A_33, %dma_wait3A] : memref<10112x128xf32, #tpu.memory_space<vmem_shared>> -> memref<128x128xf32, #tpu.memory_space<vmem_shared>>
        %dma_wait3A_38 = arith.constant 0 : i32
        %dma_wait3A_39 = tpu.memref_slice %arg10[%add3A_33, %dma_wait3A_38] : memref<10112x128xf32, #tpu.memory_space<vmem_shared>> -> memref<128x128xf32, #tpu.memory_space<vmem_shared>>
        tpu.wait_dma2 semaphore(%run_scoped3A : memref<!tpu.dma_semaphore, #tpu.memory_space<semaphore_mem>>) src(%arg8 : memref<128x128xf32, #tpu.memory_space<vmem>>) dst(%dma_wait3A_39 : memref<128x128xf32, #tpu.memory_space<vmem_shared>>)
        tpu.yield
      }) : () -> ()
    }
    %scan3A_8 = arith.constant 4 : i32
    %mul3A = arith.constant 632 : i32
    %mul3A_9 = arith.muli %arg1, %mul3A : i32
    %add3A = arith.constant 512 : i32
    %add3A_10 = arith.addi %mul3A_9, %add3A : i32
    "tpu.region"() ({
      %run_scoped3A = tpu.sem_alloc : memref<!tpu.dma_semaphore, #tpu.memory_space<semaphore_mem>>
      %dma_start3A = arith.constant 0 : i32
      %dma_start3A_24 = arith.constant 0 : i32
      %dma_start3A_25 = tpu.memref_slice %arg8[%dma_start3A, %dma_start3A_24] : memref<128x128xf32, #tpu.memory_space<vmem>> -> memref<120x128xf32, #tpu.memory_space<vmem>>
      %dma_start3A_26 = arith.constant 0 : i32
      %dma_start3A_27 = tpu.memref_slice %arg10[%add3A_10, %dma_start3A_26] : memref<10112x128xf32, #tpu.memory_space<vmem_shared>> -> memref<120x128xf32, #tpu.memory_space<vmem_shared>>
      %dma_start3A_28 = arith.constant 0 : i32
      %dma_start3A_29 = tpu.memref_slice %arg10[%add3A_10, %dma_start3A_28] : memref<10112x128xf32, #tpu.memory_space<vmem_shared>> -> memref<120x128xf32, #tpu.memory_space<vmem_shared>>
      %dma_start3A_30 = arith.constant 0 : i32
      %dma_start3A_31 = arith.constant 0 : i32
      %dma_start3A_32 = tpu.memref_slice %arg8[%dma_start3A_30, %dma_start3A_31] : memref<128x128xf32, #tpu.memory_space<vmem>> -> memref<120x128xf32, #tpu.memory_space<vmem>>
      tpu.enqueue_dma source(%dma_start3A_32 : memref<120x128xf32, #tpu.memory_space<vmem>>) target(%dma_start3A_29 : memref<120x128xf32, #tpu.memory_space<vmem_shared>>) target_semaphore(%run_scoped3A : memref<!tpu.dma_semaphore, #tpu.memory_space<semaphore_mem>>)
      %dma_wait3A = arith.constant 0 : i32
      %dma_wait3A_33 = arith.constant 0 : i32
      %dma_wait3A_34 = tpu.memref_slice %arg8[%dma_wait3A, %dma_wait3A_33] : memref<128x128xf32, #tpu.memory_space<vmem>> -> memref<120x128xf32, #tpu.memory_space<vmem>>
      %dma_wait3A_35 = arith.constant 0 : i32
      %dma_wait3A_36 = tpu.memref_slice %arg10[%add3A_10, %dma_wait3A_35] : memref<10112x128xf32, #tpu.memory_space<vmem_shared>> -> memref<120x128xf32, #tpu.memory_space<vmem_shared>>
      %dma_wait3A_37 = arith.constant 0 : i32
      %dma_wait3A_38 = tpu.memref_slice %arg10[%add3A_10, %dma_wait3A_37] : memref<10112x128xf32, #tpu.memory_space<vmem_shared>> -> memref<120x128xf32, #tpu.memory_space<vmem_shared>>
      %dma_wait3A_39 = arith.constant 0 : i32
      %dma_wait3A_40 = arith.constant 0 : i32
      %dma_wait3A_41 = tpu.memref_slice %arg8[%dma_wait3A_39, %dma_wait3A_40] : memref<128x128xf32, #tpu.memory_space<vmem>> -> memref<120x128xf32, #tpu.memory_space<vmem>>
      tpu.wait_dma2 semaphore(%run_scoped3A : memref<!tpu.dma_semaphore, #tpu.memory_space<semaphore_mem>>) src(%dma_wait3A_41 : memref<120x128xf32, #tpu.memory_space<vmem>>) dst(%dma_wait3A_38 : memref<120x128xf32, #tpu.memory_space<vmem_shared>>)
      tpu.yield
    }) : () -> ()
    %barrier3A = arith.constant 0 : index
    tpu.barrier barrier_id(%barrier3A)
    %mul3A_11 = arith.constant 16 : i32
    %mul3A_12 = arith.muli %arg0, %mul3A_11 : i32
    %add3A_13 = arith.addi %mul3A_12, %arg1 : i32
    %mul3A_14 = arith.constant 80 : i32
    %mul3A_15 = arith.muli %add3A_13, %mul3A_14 : i32
    %scan3A_16 = arith.constant 0 : i32
    %scan3A_17 = arith.constant 10 : i32
    %scan3A_18 = arith.addi %scan3A_16, %scan3A_17 : i32
    %scan3A_19 = arith.constant 1 : i32
    scf.for %scan3A_24 = %scan3A_16 to %scan3A_18 step %scan3A_19  : i32 {
      %mul3A_25 = arith.constant 1 : i32
      %mul3A_26 = arith.muli %scan3A_24, %mul3A_25 : i32
      %add3A_27 = arith.constant 0 : i32
      %add3A_28 = arith.addi %add3A_27, %mul3A_26 : i32
      %mul3A_29 = arith.constant 8 : i32
      %mul3A_30 = arith.muli %add3A_28, %mul3A_29 : i32
      %add3A_31 = arith.addi %mul3A_15, %mul3A_30 : i32
      "tpu.region"() ({
        %run_scoped3A = tpu.sem_alloc : memref<!tpu.dma_semaphore, #tpu.memory_space<semaphore_mem>>
        %dma_start3A_50 = arith.constant 0 : i32
        %dma_start3A_51 = tpu.memref_slice %arg2[%add3A_31, %dma_start3A_50] : memref<2560x128xi32, #tpu.memory_space<hbm>> -> memref<8x128xi32, #tpu.memory_space<hbm>>
        %dma_start3A_52 = arith.constant 0 : i32
        %dma_start3A_53 = tpu.memref_slice %arg2[%add3A_31, %dma_start3A_52] : memref<2560x128xi32, #tpu.memory_space<hbm>> -> memref<8x128xi32, #tpu.memory_space<hbm>>
        tpu.enqueue_dma source(%dma_start3A_53 : memref<8x128xi32, #tpu.memory_space<hbm>>) target(%arg6 : memref<8x128xi32, #tpu.memory_space<vmem>>) target_semaphore(%run_scoped3A : memref<!tpu.dma_semaphore, #tpu.memory_space<semaphore_mem>>)
        %dma_wait3A = arith.constant 0 : i32
        %dma_wait3A_54 = tpu.memref_slice %arg2[%add3A_31, %dma_wait3A] : memref<2560x128xi32, #tpu.memory_space<hbm>> -> memref<8x128xi32, #tpu.memory_space<hbm>>
        %dma_wait3A_55 = arith.constant 0 : i32
        %dma_wait3A_56 = tpu.memref_slice %arg2[%add3A_31, %dma_wait3A_55] : memref<2560x128xi32, #tpu.memory_space<hbm>> -> memref<8x128xi32, #tpu.memory_space<hbm>>
        tpu.wait_dma2 semaphore(%run_scoped3A : memref<!tpu.dma_semaphore, #tpu.memory_space<semaphore_mem>>) src(%dma_wait3A_56 : memref<8x128xi32, #tpu.memory_space<hbm>>) dst(%arg6 : memref<8x128xi32, #tpu.memory_space<vmem>>)
        tpu.yield
      }) : () -> ()
      "tpu.region"() ({
        %run_scoped3A = tpu.sem_alloc : memref<!tpu.dma_semaphore, #tpu.memory_space<semaphore_mem>>
        %dma_start3A_50 = arith.constant 0 : i32
        %dma_start3A_51 = tpu.memref_slice %arg3[%add3A_31, %dma_start3A_50] : memref<2560x128xi32, #tpu.memory_space<hbm>> -> memref<8x128xi32, #tpu.memory_space<hbm>>
        %dma_start3A_52 = arith.constant 0 : i32
        %dma_start3A_53 = tpu.memref_slice %arg3[%add3A_31, %dma_start3A_52] : memref<2560x128xi32, #tpu.memory_space<hbm>> -> memref<8x128xi32, #tpu.memory_space<hbm>>
        tpu.enqueue_dma source(%dma_start3A_53 : memref<8x128xi32, #tpu.memory_space<hbm>>) target(%arg7 : memref<8x128xi32, #tpu.memory_space<vmem>>) target_semaphore(%run_scoped3A : memref<!tpu.dma_semaphore, #tpu.memory_space<semaphore_mem>>)
        %dma_wait3A = arith.constant 0 : i32
        %dma_wait3A_54 = tpu.memref_slice %arg3[%add3A_31, %dma_wait3A] : memref<2560x128xi32, #tpu.memory_space<hbm>> -> memref<8x128xi32, #tpu.memory_space<hbm>>
        %dma_wait3A_55 = arith.constant 0 : i32
        %dma_wait3A_56 = tpu.memref_slice %arg3[%add3A_31, %dma_wait3A_55] : memref<2560x128xi32, #tpu.memory_space<hbm>> -> memref<8x128xi32, #tpu.memory_space<hbm>>
        tpu.wait_dma2 semaphore(%run_scoped3A : memref<!tpu.dma_semaphore, #tpu.memory_space<semaphore_mem>>) src(%dma_wait3A_56 : memref<8x128xi32, #tpu.memory_space<hbm>>) dst(%arg7 : memref<8x128xi32, #tpu.memory_space<vmem>>)
        tpu.yield
      }) : () -> ()
      %dma_start3A = arith.constant 0 : i32
      %dma_start3A_32 = arith.constant 0 : i32
      %dma_start3A_33 = tpu.memref_slice %arg6[%dma_start3A, %dma_start3A_32] : memref<8x128xi32, #tpu.memory_space<vmem>> -> memref<1x128xi32, #tpu.memory_space<vmem>>
      %dma_start3A_34 = tpu.memref_squeeze %dma_start3A_33 : memref<1x128xi32, #tpu.memory_space<vmem>> -> memref<128xi32, #tpu.memory_space<vmem>>
      %dma_start3A_35 = arith.constant 0 : i32
      %dma_start3A_36 = arith.constant 0 : i32
      %dma_start3A_37 = tpu.memref_slice %arg4[%dma_start3A_35, %dma_start3A_36] : memref<10000x128xf32, #tpu.memory_space<hbm>> -> memref<10000x128xf32, #tpu.memory_space<hbm>>
      tpu.enqueue_indirect_dma source(%dma_start3A_37 : memref<10000x128xf32, #tpu.memory_space<hbm>>) target(%arg8 : memref<128x128xf32, #tpu.memory_space<vmem>>) offsets(%dma_start3A_34 : memref<128xi32, #tpu.memory_space<vmem>>) semaphore(%arg11 : memref<!tpu.dma_semaphore, #tpu.memory_space<semaphore_mem>>)
      %dma_start3A_38 = arith.constant 1 : i32
      %dma_start3A_39 = arith.constant 0 : i32
      %dma_start3A_40 = tpu.memref_slice %arg6[%dma_start3A_38, %dma_start3A_39] : memref<8x128xi32, #tpu.memory_space<vmem>> -> memref<1x128xi32, #tpu.memory_space<vmem>>
      %dma_start3A_41 = tpu.memref_squeeze %dma_start3A_40 : memref<1x128xi32, #tpu.memory_space<vmem>> -> memref<128xi32, #tpu.memory_space<vmem>>
      %dma_start3A_42 = arith.constant 0 : i32
      %dma_start3A_43 = arith.constant 0 : i32
      %dma_start3A_44 = tpu.memref_slice %arg4[%dma_start3A_42, %dma_start3A_43] : memref<10000x128xf32, #tpu.memory_space<hbm>> -> memref<10000x128xf32, #tpu.memory_space<hbm>>
      tpu.enqueue_indirect_dma source(%dma_start3A_44 : memref<10000x128xf32, #tpu.memory_space<hbm>>) target(%arg9 : memref<128x128xf32, #tpu.memory_space<vmem>>) offsets(%dma_start3A_41 : memref<128xi32, #tpu.memory_space<vmem>>) semaphore(%arg12 : memref<!tpu.dma_semaphore, #tpu.memory_space<semaphore_mem>>)
      %scan3A_45 = arith.constant 0 : i32
      %scan3A_46 = arith.constant 4 : i32
      %scan3A_47 = arith.addi %scan3A_45, %scan3A_46 : i32
      %scan3A_48 = arith.constant 1 : i32
      scf.for %scan3A_50 = %scan3A_45 to %scan3A_47 step %scan3A_48  : i32 {
        %mul3A_51 = arith.constant 2 : i32
        %mul3A_52 = arith.muli %scan3A_50, %mul3A_51 : i32
        %add3A_53 = arith.constant 0 : i32
        %add3A_54 = arith.addi %add3A_53, %mul3A_52 : i32
        %add3A_55 = arith.constant 0 : i32
        %add3A_56 = arith.addi %add3A_54, %add3A_55 : i32
        %dma_wait3A = arith.constant 0 : i32
        %dma_wait3A_57 = tpu.memref_slice %arg6[%add3A_56, %dma_wait3A] : memref<8x128xi32, #tpu.memory_space<vmem>> -> memref<1x128xi32, #tpu.memory_space<vmem>>
        %dma_wait3A_58 = tpu.memref_squeeze %dma_wait3A_57 : memref<1x128xi32, #tpu.memory_space<vmem>> -> memref<128xi32, #tpu.memory_space<vmem>>
        %dma_wait3A_59 = arith.constant 0 : i32
        %dma_wait3A_60 = arith.constant 0 : i32
        %dma_wait3A_61 = tpu.memref_slice %arg4[%dma_wait3A_59, %dma_wait3A_60] : memref<10000x128xf32, #tpu.memory_space<hbm>> -> memref<10000x128xf32, #tpu.memory_space<hbm>>
        tpu.wait_indirect_dma semaphore(%arg11 : memref<!tpu.dma_semaphore, #tpu.memory_space<semaphore_mem>>) src(%dma_wait3A_61 : memref<10000x128xf32, #tpu.memory_space<hbm>>) dst(%arg8 : memref<128x128xf32, #tpu.memory_space<vmem>>)
        "tpu.region"() ({
          %run_scoped3A = tpu.sem_alloc : memref<!tpu.dma_semaphore, #tpu.memory_space<semaphore_mem>>
          %dma_start3A_81 = arith.constant 0 : i32
          %dma_start3A_82 = tpu.memref_slice %arg7[%add3A_56, %dma_start3A_81] : memref<8x128xi32, #tpu.memory_space<vmem>> -> memref<1x128xi32, #tpu.memory_space<vmem>>
          %dma_start3A_83 = tpu.memref_squeeze %dma_start3A_82 : memref<1x128xi32, #tpu.memory_space<vmem>> -> memref<128xi32, #tpu.memory_space<vmem>>
          %dma_start3A_84 = arith.constant 0 : i32
          %dma_start3A_85 = arith.constant 0 : i32
          %dma_start3A_86 = tpu.memref_slice %arg10[%dma_start3A_84, %dma_start3A_85] : memref<10112x128xf32, #tpu.memory_space<vmem_shared>> -> memref<10112x128xf32, #tpu.memory_space<vmem_shared>>
          tpu.enqueue_indirect_dma source(%arg8 : memref<128x128xf32, #tpu.memory_space<vmem>>) target(%dma_start3A_86 : memref<10112x128xf32, #tpu.memory_space<vmem_shared>>) offsets(%dma_start3A_83 : memref<128xi32, #tpu.memory_space<vmem>>) semaphore(%run_scoped3A : memref<!tpu.dma_semaphore, #tpu.memory_space<semaphore_mem>>) {add = true}
          %dma_wait3A_87 = arith.constant 0 : i32
          %dma_wait3A_88 = tpu.memref_slice %arg7[%add3A_56, %dma_wait3A_87] : memref<8x128xi32, #tpu.memory_space<vmem>> -> memref<1x128xi32, #tpu.memory_space<vmem>>
          %dma_wait3A_89 = tpu.memref_squeeze %dma_wait3A_88 : memref<1x128xi32, #tpu.memory_space<vmem>> -> memref<128xi32, #tpu.memory_space<vmem>>
          %dma_wait3A_90 = arith.constant 0 : i32
          %dma_wait3A_91 = arith.constant 0 : i32
          %dma_wait3A_92 = tpu.memref_slice %arg10[%dma_wait3A_90, %dma_wait3A_91] : memref<10112x128xf32, #tpu.memory_space<vmem_shared>> -> memref<10112x128xf32, #tpu.memory_space<vmem_shared>>
          tpu.wait_indirect_dma semaphore(%run_scoped3A : memref<!tpu.dma_semaphore, #tpu.memory_space<semaphore_mem>>) src(%arg8 : memref<128x128xf32, #tpu.memory_space<vmem>>) dst(%dma_wait3A_92 : memref<10112x128xf32, #tpu.memory_space<vmem_shared>>)
          tpu.yield
        }) : () -> ()
        %add3A_62 = arith.constant 2 : i32
        %add3A_63 = arith.addi %add3A_56, %add3A_62 : i32
        %lt3A = arith.constant 8 : i32
        %lt3A_64 = arith.cmpi slt, %add3A_63, %lt3A : i32
        %convert_element_type3A = arith.extui %lt3A_64 : i1 to i32
        %cond3A = arith.constant 0 : i32
        %cond3A_65 = arith.cmpi ne, %convert_element_type3A, %cond3A : i32
        scf.if %cond3A_65 {
          %add3A_81 = arith.constant 2 : i32
          %add3A_82 = arith.addi %add3A_56, %add3A_81 : i32
          %dma_start3A_83 = arith.constant 0 : i32
          %dma_start3A_84 = tpu.memref_slice %arg6[%add3A_82, %dma_start3A_83] : memref<8x128xi32, #tpu.memory_space<vmem>> -> memref<1x128xi32, #tpu.memory_space<vmem>>
          %dma_start3A_85 = tpu.memref_squeeze %dma_start3A_84 : memref<1x128xi32, #tpu.memory_space<vmem>> -> memref<128xi32, #tpu.memory_space<vmem>>
          %dma_start3A_86 = arith.constant 0 : i32
          %dma_start3A_87 = arith.constant 0 : i32
          %dma_start3A_88 = tpu.memref_slice %arg4[%dma_start3A_86, %dma_start3A_87] : memref<10000x128xf32, #tpu.memory_space<hbm>> -> memref<10000x128xf32, #tpu.memory_space<hbm>>
          tpu.enqueue_indirect_dma source(%dma_start3A_88 : memref<10000x128xf32, #tpu.memory_space<hbm>>) target(%arg8 : memref<128x128xf32, #tpu.memory_space<vmem>>) offsets(%dma_start3A_85 : memref<128xi32, #tpu.memory_space<vmem>>) semaphore(%arg11 : memref<!tpu.dma_semaphore, #tpu.memory_space<semaphore_mem>>)
        } else {
        }
        %add3A_66 = arith.constant 1 : i32
        %add3A_67 = arith.addi %add3A_54, %add3A_66 : i32
        %dma_wait3A_68 = arith.constant 0 : i32
        %dma_wait3A_69 = tpu.memref_slice %arg6[%add3A_67, %dma_wait3A_68] : memref<8x128xi32, #tpu.memory_space<vmem>> -> memref<1x128xi32, #tpu.memory_space<vmem>>
        %dma_wait3A_70 = tpu.memref_squeeze %dma_wait3A_69 : memref<1x128xi32, #tpu.memory_space<vmem>> -> memref<128xi32, #tpu.memory_space<vmem>>
        %dma_wait3A_71 = arith.constant 0 : i32
        %dma_wait3A_72 = arith.constant 0 : i32
        %dma_wait3A_73 = tpu.memref_slice %arg4[%dma_wait3A_71, %dma_wait3A_72] : memref<10000x128xf32, #tpu.memory_space<hbm>> -> memref<10000x128xf32, #tpu.memory_space<hbm>>
        tpu.wait_indirect_dma semaphore(%arg12 : memref<!tpu.dma_semaphore, #tpu.memory_space<semaphore_mem>>) src(%dma_wait3A_73 : memref<10000x128xf32, #tpu.memory_space<hbm>>) dst(%arg9 : memref<128x128xf32, #tpu.memory_space<vmem>>)
        "tpu.region"() ({
          %run_scoped3A = tpu.sem_alloc : memref<!tpu.dma_semaphore, #tpu.memory_space<semaphore_mem>>
          %dma_start3A_81 = arith.constant 0 : i32
          %dma_start3A_82 = tpu.memref_slice %arg7[%add3A_67, %dma_start3A_81] : memref<8x128xi32, #tpu.memory_space<vmem>> -> memref<1x128xi32, #tpu.memory_space<vmem>>
          %dma_start3A_83 = tpu.memref_squeeze %dma_start3A_82 : memref<1x128xi32, #tpu.memory_space<vmem>> -> memref<128xi32, #tpu.memory_space<vmem>>
          %dma_start3A_84 = arith.constant 0 : i32
          %dma_start3A_85 = arith.constant 0 : i32
          %dma_start3A_86 = tpu.memref_slice %arg10[%dma_start3A_84, %dma_start3A_85] : memref<10112x128xf32, #tpu.memory_space<vmem_shared>> -> memref<10112x128xf32, #tpu.memory_space<vmem_shared>>
          tpu.enqueue_indirect_dma source(%arg9 : memref<128x128xf32, #tpu.memory_space<vmem>>) target(%dma_start3A_86 : memref<10112x128xf32, #tpu.memory_space<vmem_shared>>) offsets(%dma_start3A_83 : memref<128xi32, #tpu.memory_space<vmem>>) semaphore(%run_scoped3A : memref<!tpu.dma_semaphore, #tpu.memory_space<semaphore_mem>>) {add = true}
          %dma_wait3A_87 = arith.constant 0 : i32
          %dma_wait3A_88 = tpu.memref_slice %arg7[%add3A_67, %dma_wait3A_87] : memref<8x128xi32, #tpu.memory_space<vmem>> -> memref<1x128xi32, #tpu.memory_space<vmem>>
          %dma_wait3A_89 = tpu.memref_squeeze %dma_wait3A_88 : memref<1x128xi32, #tpu.memory_space<vmem>> -> memref<128xi32, #tpu.memory_space<vmem>>
          %dma_wait3A_90 = arith.constant 0 : i32
          %dma_wait3A_91 = arith.constant 0 : i32
          %dma_wait3A_92 = tpu.memref_slice %arg10[%dma_wait3A_90, %dma_wait3A_91] : memref<10112x128xf32, #tpu.memory_space<vmem_shared>> -> memref<10112x128xf32, #tpu.memory_space<vmem_shared>>
          tpu.wait_indirect_dma semaphore(%run_scoped3A : memref<!tpu.dma_semaphore, #tpu.memory_space<semaphore_mem>>) src(%arg9 : memref<128x128xf32, #tpu.memory_space<vmem>>) dst(%dma_wait3A_92 : memref<10112x128xf32, #tpu.memory_space<vmem_shared>>)
          tpu.yield
        }) : () -> ()
        %add3A_74 = arith.constant 2 : i32
        %add3A_75 = arith.addi %add3A_67, %add3A_74 : i32
        %lt3A_76 = arith.constant 8 : i32
        %lt3A_77 = arith.cmpi slt, %add3A_75, %lt3A_76 : i32
        %convert_element_type3A_78 = arith.extui %lt3A_77 : i1 to i32
        %cond3A_79 = arith.constant 0 : i32
        %cond3A_80 = arith.cmpi ne, %convert_element_type3A_78, %cond3A_79 : i32
        scf.if %cond3A_80 {
          %add3A_81 = arith.constant 2 : i32
          %add3A_82 = arith.addi %add3A_67, %add3A_81 : i32
          %dma_start3A_83 = arith.constant 0 : i32
          %dma_start3A_84 = tpu.memref_slice %arg6[%add3A_82, %dma_start3A_83] : memref<8x128xi32, #tpu.memory_space<vmem>> -> memref<1x128xi32, #tpu.memory_space<vmem>>
          %dma_start3A_85 = tpu.memref_squeeze %dma_start3A_84 : memref<1x128xi32, #tpu.memory_space<vmem>> -> memref<128xi32, #tpu.memory_space<vmem>>
          %dma_start3A_86 = arith.constant 0 : i32
          %dma_start3A_87 = arith.constant 0 : i32
          %dma_start3A_88 = tpu.memref_slice %arg4[%dma_start3A_86, %dma_start3A_87] : memref<10000x128xf32, #tpu.memory_space<hbm>> -> memref<10000x128xf32, #tpu.memory_space<hbm>>
          tpu.enqueue_indirect_dma source(%dma_start3A_88 : memref<10000x128xf32, #tpu.memory_space<hbm>>) target(%arg9 : memref<128x128xf32, #tpu.memory_space<vmem>>) offsets(%dma_start3A_85 : memref<128xi32, #tpu.memory_space<vmem>>) semaphore(%arg12 : memref<!tpu.dma_semaphore, #tpu.memory_space<semaphore_mem>>)
        } else {
        }
      }
      %scan3A_49 = arith.constant 4 : i32
    }
    %scan3A_20 = arith.constant 10 : i32
    %barrier3A_21 = arith.constant 0 : index
    tpu.barrier barrier_id(%barrier3A_21)
    %mul3A_22 = arith.constant 632 : i32
    %mul3A_23 = arith.muli %arg1, %mul3A_22 : i32
    "tpu.region"() ({
      %run_scoped3A = tpu.sem_alloc : memref<!tpu.dma_semaphore, #tpu.memory_space<semaphore_mem>>
      %dma_start3A = arith.constant 0 : i32
      %dma_start3A_24 = tpu.memref_slice %arg5[%arg0, %mul3A_23, %dma_start3A] : memref<2x10112x128xf32, #tpu.memory_space<hbm>> -> memref<1x632x128xf32, #tpu.memory_space<hbm>>
      %dma_start3A_25 = tpu.memref_squeeze %dma_start3A_24 : memref<1x632x128xf32, #tpu.memory_space<hbm>> -> memref<632x128xf32, #tpu.memory_space<hbm>>
      %dma_start3A_26 = arith.constant 0 : i32
      %dma_start3A_27 = tpu.memref_slice %arg10[%mul3A_23, %dma_start3A_26] : memref<10112x128xf32, #tpu.memory_space<vmem_shared>> -> memref<632x128xf32, #tpu.memory_space<vmem_shared>>
      tpu.enqueue_dma source(%dma_start3A_27 : memref<632x128xf32, #tpu.memory_space<vmem_shared>>) target(%dma_start3A_25 : memref<632x128xf32, #tpu.memory_space<hbm>>) target_semaphore(%run_scoped3A : memref<!tpu.dma_semaphore, #tpu.memory_space<semaphore_mem>>)
      %dma_wait3A = arith.constant 0 : i32
      %dma_wait3A_28 = tpu.memref_slice %arg5[%arg0, %mul3A_23, %dma_wait3A] : memref<2x10112x128xf32, #tpu.memory_space<hbm>> -> memref<1x632x128xf32, #tpu.memory_space<hbm>>
      %dma_wait3A_29 = tpu.memref_squeeze %dma_wait3A_28 : memref<1x632x128xf32, #tpu.memory_space<hbm>> -> memref<632x128xf32, #tpu.memory_space<hbm>>
      %dma_wait3A_30 = arith.constant 0 : i32
      %dma_wait3A_31 = tpu.memref_slice %arg10[%mul3A_23, %dma_wait3A_30] : memref<10112x128xf32, #tpu.memory_space<vmem_shared>> -> memref<632x128xf32, #tpu.memory_space<vmem_shared>>
      tpu.wait_dma2 semaphore(%run_scoped3A : memref<!tpu.dma_semaphore, #tpu.memory_space<semaphore_mem>>) src(%dma_wait3A_31 : memref<632x128xf32, #tpu.memory_space<vmem_shared>>) dst(%dma_wait3A_29 : memref<632x128xf32, #tpu.memory_space<hbm>>)
      tpu.yield
    }) : () -> ()
    return
  }
}

#map = affine_map<(d0, d1) -> (0, 0)>
#map1 = affine_map<(d0, d1) -> (0, 0, 0)>
module attributes {stable_mosaic.version = 14 : i64} {
  func.func @_deg_sc_body(%arg0: i32, %arg1: i32, %arg2: memref<2560x128xi32, #tpu.memory_space<hbm>>, %arg3: memref<32x80x128xf32, #tpu.memory_space<hbm>>, %arg4: memref<80x128xi32, #tpu.memory_space<vmem>>, %arg5: memref<80x128xf32, #tpu.memory_space<vmem>>) attributes {dimension_semantics = [#tpu.dimension_semantics<core_parallel>, #tpu.dimension_semantics<subcore_parallel>], iteration_bounds = array<i64: 2, 16>, scalar_prefetch = 0 : i64, scratch_operands = 2 : i64, tpu.core_type = #tpu.core_type<sc_vector_subcore>, window_params = [{transform_indices = #map}, {transform_indices = #map1}]} {
    %mul3A = arith.constant 16 : i32
    %mul3A_0 = arith.muli %arg0, %mul3A : i32
    %add3A = arith.addi %mul3A_0, %arg1 : i32
    %broadcast_in_dim3A = arith.constant 1.000000e+00 : f32
    %broadcast_in_dim3A_1 = vector.broadcast %broadcast_in_dim3A : f32 to vector<16xf32>
    %scan3A = arith.constant 0 : i32
    %scan3A_2 = arith.constant 80 : i32
    %scan3A_3 = arith.addi %scan3A, %scan3A_2 : i32
    %scan3A_4 = arith.constant 1 : i32
    scf.for %scan3A_13 = %scan3A to %scan3A_3 step %scan3A_4  : i32 {
      %mul3A_14 = arith.constant 1 : i32
      %mul3A_15 = arith.muli %scan3A_13, %mul3A_14 : i32
      %add3A_16 = arith.constant 0 : i32
      %add3A_17 = arith.addi %add3A_16, %mul3A_15 : i32
      %broadcast_in_dim3A_18 = arith.constant 0.000000e+00 : f32
      %broadcast_in_dim3A_19 = vector.broadcast %broadcast_in_dim3A_18 : f32 to vector<16xf32>
      %swap3A = arith.index_cast %add3A_17 : i32 to index
      %swap3A_20 = arith.constant 0 : index
      %swap3A_21 = tpu.vector_load %arg5[%swap3A, %swap3A_20] {strides = array<i32>} : memref<80x128xf32, #tpu.memory_space<vmem>>, vector<16xf32>,
      tpu.vector_store %arg5[%swap3A, %swap3A_20], %broadcast_in_dim3A_19 {strides = array<i32>} : memref<80x128xf32, #tpu.memory_space<vmem>>, vector<16xf32>,
      %broadcast_in_dim3A_22 = arith.constant 0.000000e+00 : f32
      %broadcast_in_dim3A_23 = vector.broadcast %broadcast_in_dim3A_22 : f32 to vector<16xf32>
      %swap3A_24 = arith.index_cast %add3A_17 : i32 to index
      %swap3A_25 = arith.constant 16 : index
      %swap3A_26 = tpu.vector_load %arg5[%swap3A_24, %swap3A_25] {strides = array<i32>} : memref<80x128xf32, #tpu.memory_space<vmem>>, vector<16xf32>,
      tpu.vector_store %arg5[%swap3A_24, %swap3A_25], %broadcast_in_dim3A_23 {strides = array<i32>} : memref<80x128xf32, #tpu.memory_space<vmem>>, vector<16xf32>,
      %broadcast_in_dim3A_27 = arith.constant 0.000000e+00 : f32
      %broadcast_in_dim3A_28 = vector.broadcast %broadcast_in_dim3A_27 : f32 to vector<16xf32>
      %swap3A_29 = arith.index_cast %add3A_17 : i32 to index
      %swap3A_30 = arith.constant 32 : index
      %swap3A_31 = tpu.vector_load %arg5[%swap3A_29, %swap3A_30] {strides = array<i32>} : memref<80x128xf32, #tpu.memory_space<vmem>>, vector<16xf32>,
      tpu.vector_store %arg5[%swap3A_29, %swap3A_30], %broadcast_in_dim3A_28 {strides = array<i32>} : memref<80x128xf32, #tpu.memory_space<vmem>>, vector<16xf32>,
      %broadcast_in_dim3A_32 = arith.constant 0.000000e+00 : f32
      %broadcast_in_dim3A_33 = vector.broadcast %broadcast_in_dim3A_32 : f32 to vector<16xf32>
      %swap3A_34 = arith.index_cast %add3A_17 : i32 to index
      %swap3A_35 = arith.constant 48 : index
      %swap3A_36 = tpu.vector_load %arg5[%swap3A_34, %swap3A_35] {strides = array<i32>} : memref<80x128xf32, #tpu.memory_space<vmem>>, vector<16xf32>,
      tpu.vector_store %arg5[%swap3A_34, %swap3A_35], %broadcast_in_dim3A_33 {strides = array<i32>} : memref<80x128xf32, #tpu.memory_space<vmem>>, vector<16xf32>,
      %broadcast_in_dim3A_37 = arith.constant 0.000000e+00 : f32
      %broadcast_in_dim3A_38 = vector.broadcast %broadcast_in_dim3A_37 : f32 to vector<16xf32>
      %swap3A_39 = arith.index_cast %add3A_17 : i32 to index
      %swap3A_40 = arith.constant 64 : index
      %swap3A_41 = tpu.vector_load %arg5[%swap3A_39, %swap3A_40] {strides = array<i32>} : memref<80x128xf32, #tpu.memory_space<vmem>>, vector<16xf32>,
      tpu.vector_store %arg5[%swap3A_39, %swap3A_40], %broadcast_in_dim3A_38 {strides = array<i32>} : memref<80x128xf32, #tpu.memory_space<vmem>>, vector<16xf32>,
      %broadcast_in_dim3A_42 = arith.constant 0.000000e+00 : f32
      %broadcast_in_dim3A_43 = vector.broadcast %broadcast_in_dim3A_42 : f32 to vector<16xf32>
      %swap3A_44 = arith.index_cast %add3A_17 : i32 to index
      %swap3A_45 = arith.constant 80 : index
      %swap3A_46 = tpu.vector_load %arg5[%swap3A_44, %swap3A_45] {strides = array<i32>} : memref<80x128xf32, #tpu.memory_space<vmem>>, vector<16xf32>,
      tpu.vector_store %arg5[%swap3A_44, %swap3A_45], %broadcast_in_dim3A_43 {strides = array<i32>} : memref<80x128xf32, #tpu.memory_space<vmem>>, vector<16xf32>,
      %broadcast_in_dim3A_47 = arith.constant 0.000000e+00 : f32
      %broadcast_in_dim3A_48 = vector.broadcast %broadcast_in_dim3A_47 : f32 to vector<16xf32>
      %swap3A_49 = arith.index_cast %add3A_17 : i32 to index
      %swap3A_50 = arith.constant 96 : index
      %swap3A_51 = tpu.vector_load %arg5[%swap3A_49, %swap3A_50] {strides = array<i32>} : memref<80x128xf32, #tpu.memory_space<vmem>>, vector<16xf32>,
      tpu.vector_store %arg5[%swap3A_49, %swap3A_50], %broadcast_in_dim3A_48 {strides = array<i32>} : memref<80x128xf32, #tpu.memory_space<vmem>>, vector<16xf32>,
      %broadcast_in_dim3A_52 = arith.constant 0.000000e+00 : f32
      %broadcast_in_dim3A_53 = vector.broadcast %broadcast_in_dim3A_52 : f32 to vector<16xf32>
      %swap3A_54 = arith.index_cast %add3A_17 : i32 to index
      %swap3A_55 = arith.constant 112 : index
      %swap3A_56 = tpu.vector_load %arg5[%swap3A_54, %swap3A_55] {strides = array<i32>} : memref<80x128xf32, #tpu.memory_space<vmem>>, vector<16xf32>,
      tpu.vector_store %arg5[%swap3A_54, %swap3A_55], %broadcast_in_dim3A_53 {strides = array<i32>} : memref<80x128xf32, #tpu.memory_space<vmem>>, vector<16xf32>,
    }
    %scan3A_5 = arith.constant 80 : i32
    %mul3A_6 = arith.constant 80 : i32
    %mul3A_7 = arith.muli %add3A, %mul3A_6 : i32
    "tpu.region"() ({
      %run_scoped3A = tpu.sem_alloc : memref<!tpu.dma_semaphore, #tpu.memory_space<semaphore_mem>>
      %dma_start3A = arith.constant 0 : i32
      %dma_start3A_13 = tpu.memref_slice %arg2[%mul3A_7, %dma_start3A] : memref<2560x128xi32, #tpu.memory_space<hbm>> -> memref<80x128xi32, #tpu.memory_space<hbm>>
      %dma_start3A_14 = arith.constant 0 : i32
      %dma_start3A_15 = tpu.memref_slice %arg2[%mul3A_7, %dma_start3A_14] : memref<2560x128xi32, #tpu.memory_space<hbm>> -> memref<80x128xi32, #tpu.memory_space<hbm>>
      tpu.enqueue_dma source(%dma_start3A_15 : memref<80x128xi32, #tpu.memory_space<hbm>>) target(%arg4 : memref<80x128xi32, #tpu.memory_space<vmem>>) target_semaphore(%run_scoped3A : memref<!tpu.dma_semaphore, #tpu.memory_space<semaphore_mem>>)
      %dma_wait3A = arith.constant 0 : i32
      %dma_wait3A_16 = tpu.memref_slice %arg2[%mul3A_7, %dma_wait3A] : memref<2560x128xi32, #tpu.memory_space<hbm>> -> memref<80x128xi32, #tpu.memory_space<hbm>>
      %dma_wait3A_17 = arith.constant 0 : i32
      %dma_wait3A_18 = tpu.memref_slice %arg2[%mul3A_7, %dma_wait3A_17] : memref<2560x128xi32, #tpu.memory_space<hbm>> -> memref<80x128xi32, #tpu.memory_space<hbm>>
      tpu.wait_dma2 semaphore(%run_scoped3A : memref<!tpu.dma_semaphore, #tpu.memory_space<semaphore_mem>>) src(%dma_wait3A_18 : memref<80x128xi32, #tpu.memory_space<hbm>>) dst(%arg4 : memref<80x128xi32, #tpu.memory_space<vmem>>)
      tpu.yield
    }) : () -> ()
    %scan3A_8 = arith.constant 0 : i32
    %scan3A_9 = arith.constant 80 : i32
    %scan3A_10 = arith.addi %scan3A_8, %scan3A_9 : i32
    %scan3A_11 = arith.constant 1 : i32
    scf.for %scan3A_13 = %scan3A_8 to %scan3A_10 step %scan3A_11  : i32 {
      %mul3A_14 = arith.constant 1 : i32
      %mul3A_15 = arith.muli %scan3A_13, %mul3A_14 : i32
      %add3A_16 = arith.constant 0 : i32
      %add3A_17 = arith.addi %add3A_16, %mul3A_15 : i32
      %get3A = arith.index_cast %add3A_17 : i32 to index
      %get3A_18 = arith.constant 0 : index
      %get3A_19 = tpu.vector_load %arg4[%get3A, %get3A_18] {strides = array<i32>} : memref<80x128xi32, #tpu.memory_space<vmem>>, vector<16xi32>,
      %shift_right_logical3A = arith.constant 7 : i32
      %shift_right_logical3A_20 = vector.broadcast %shift_right_logical3A : i32 to vector<16xi32>
      %shift_right_logical3A_21 = arith.shrui %get3A_19, %shift_right_logical3A_20 : vector<16xi32>
      %and3A = arith.constant 127 : i32
      %and3A_22 = vector.broadcast %and3A : i32 to vector<16xi32>
      %and3A_23 = arith.andi %get3A_19, %and3A_22 : vector<16xi32>
      tpu.vector_store_idx %arg5[%shift_right_logical3A_21, %and3A_23], %broadcast_in_dim3A_1 {add = true} : memref<80x128xf32, #tpu.memory_space<vmem>>[vector<16xi32>, vector<16xi32>], vector<16xf32>,
      %get3A_24 = arith.index_cast %add3A_17 : i32 to index
      %get3A_25 = arith.constant 16 : index
      %get3A_26 = tpu.vector_load %arg4[%get3A_24, %get3A_25] {strides = array<i32>} : memref<80x128xi32, #tpu.memory_space<vmem>>, vector<16xi32>,
      %shift_right_logical3A_27 = arith.constant 7 : i32
      %shift_right_logical3A_28 = vector.broadcast %shift_right_logical3A_27 : i32 to vector<16xi32>
      %shift_right_logical3A_29 = arith.shrui %get3A_26, %shift_right_logical3A_28 : vector<16xi32>
      %and3A_30 = arith.constant 127 : i32
      %and3A_31 = vector.broadcast %and3A_30 : i32 to vector<16xi32>
      %and3A_32 = arith.andi %get3A_26, %and3A_31 : vector<16xi32>
      tpu.vector_store_idx %arg5[%shift_right_logical3A_29, %and3A_32], %broadcast_in_dim3A_1 {add = true} : memref<80x128xf32, #tpu.memory_space<vmem>>[vector<16xi32>, vector<16xi32>], vector<16xf32>,
      %get3A_33 = arith.index_cast %add3A_17 : i32 to index
      %get3A_34 = arith.constant 32 : index
      %get3A_35 = tpu.vector_load %arg4[%get3A_33, %get3A_34] {strides = array<i32>} : memref<80x128xi32, #tpu.memory_space<vmem>>, vector<16xi32>,
      %shift_right_logical3A_36 = arith.constant 7 : i32
      %shift_right_logical3A_37 = vector.broadcast %shift_right_logical3A_36 : i32 to vector<16xi32>
      %shift_right_logical3A_38 = arith.shrui %get3A_35, %shift_right_logical3A_37 : vector<16xi32>
      %and3A_39 = arith.constant 127 : i32
      %and3A_40 = vector.broadcast %and3A_39 : i32 to vector<16xi32>
      %and3A_41 = arith.andi %get3A_35, %and3A_40 : vector<16xi32>
      tpu.vector_store_idx %arg5[%shift_right_logical3A_38, %and3A_41], %broadcast_in_dim3A_1 {add = true} : memref<80x128xf32, #tpu.memory_space<vmem>>[vector<16xi32>, vector<16xi32>], vector<16xf32>,
      %get3A_42 = arith.index_cast %add3A_17 : i32 to index
      %get3A_43 = arith.constant 48 : index
      %get3A_44 = tpu.vector_load %arg4[%get3A_42, %get3A_43] {strides = array<i32>} : memref<80x128xi32, #tpu.memory_space<vmem>>, vector<16xi32>,
      %shift_right_logical3A_45 = arith.constant 7 : i32
      %shift_right_logical3A_46 = vector.broadcast %shift_right_logical3A_45 : i32 to vector<16xi32>
      %shift_right_logical3A_47 = arith.shrui %get3A_44, %shift_right_logical3A_46 : vector<16xi32>
      %and3A_48 = arith.constant 127 : i32
      %and3A_49 = vector.broadcast %and3A_48 : i32 to vector<16xi32>
      %and3A_50 = arith.andi %get3A_44, %and3A_49 : vector<16xi32>
      tpu.vector_store_idx %arg5[%shift_right_logical3A_47, %and3A_50], %broadcast_in_dim3A_1 {add = true} : memref<80x128xf32, #tpu.memory_space<vmem>>[vector<16xi32>, vector<16xi32>], vector<16xf32>,
      %get3A_51 = arith.index_cast %add3A_17 : i32 to index
      %get3A_52 = arith.constant 64 : index
      %get3A_53 = tpu.vector_load %arg4[%get3A_51, %get3A_52] {strides = array<i32>} : memref<80x128xi32, #tpu.memory_space<vmem>>, vector<16xi32>,
      %shift_right_logical3A_54 = arith.constant 7 : i32
      %shift_right_logical3A_55 = vector.broadcast %shift_right_logical3A_54 : i32 to vector<16xi32>
      %shift_right_logical3A_56 = arith.shrui %get3A_53, %shift_right_logical3A_55 : vector<16xi32>
      %and3A_57 = arith.constant 127 : i32
      %and3A_58 = vector.broadcast %and3A_57 : i32 to vector<16xi32>
      %and3A_59 = arith.andi %get3A_53, %and3A_58 : vector<16xi32>
      tpu.vector_store_idx %arg5[%shift_right_logical3A_56, %and3A_59], %broadcast_in_dim3A_1 {add = true} : memref<80x128xf32, #tpu.memory_space<vmem>>[vector<16xi32>, vector<16xi32>], vector<16xf32>,
      %get3A_60 = arith.index_cast %add3A_17 : i32 to index
      %get3A_61 = arith.constant 80 : index
      %get3A_62 = tpu.vector_load %arg4[%get3A_60, %get3A_61] {strides = array<i32>} : memref<80x128xi32, #tpu.memory_space<vmem>>, vector<16xi32>,
      %shift_right_logical3A_63 = arith.constant 7 : i32
      %shift_right_logical3A_64 = vector.broadcast %shift_right_logical3A_63 : i32 to vector<16xi32>
      %shift_right_logical3A_65 = arith.shrui %get3A_62, %shift_right_logical3A_64 : vector<16xi32>
      %and3A_66 = arith.constant 127 : i32
      %and3A_67 = vector.broadcast %and3A_66 : i32 to vector<16xi32>
      %and3A_68 = arith.andi %get3A_62, %and3A_67 : vector<16xi32>
      tpu.vector_store_idx %arg5[%shift_right_logical3A_65, %and3A_68], %broadcast_in_dim3A_1 {add = true} : memref<80x128xf32, #tpu.memory_space<vmem>>[vector<16xi32>, vector<16xi32>], vector<16xf32>,
      %get3A_69 = arith.index_cast %add3A_17 : i32 to index
      %get3A_70 = arith.constant 96 : index
      %get3A_71 = tpu.vector_load %arg4[%get3A_69, %get3A_70] {strides = array<i32>} : memref<80x128xi32, #tpu.memory_space<vmem>>, vector<16xi32>,
      %shift_right_logical3A_72 = arith.constant 7 : i32
      %shift_right_logical3A_73 = vector.broadcast %shift_right_logical3A_72 : i32 to vector<16xi32>
      %shift_right_logical3A_74 = arith.shrui %get3A_71, %shift_right_logical3A_73 : vector<16xi32>
      %and3A_75 = arith.constant 127 : i32
      %and3A_76 = vector.broadcast %and3A_75 : i32 to vector<16xi32>
      %and3A_77 = arith.andi %get3A_71, %and3A_76 : vector<16xi32>
      tpu.vector_store_idx %arg5[%shift_right_logical3A_74, %and3A_77], %broadcast_in_dim3A_1 {add = true} : memref<80x128xf32, #tpu.memory_space<vmem>>[vector<16xi32>, vector<16xi32>], vector<16xf32>,
      %get3A_78 = arith.index_cast %add3A_17 : i32 to index
      %get3A_79 = arith.constant 112 : index
      %get3A_80 = tpu.vector_load %arg4[%get3A_78, %get3A_79] {strides = array<i32>} : memref<80x128xi32, #tpu.memory_space<vmem>>, vector<16xi32>,
      %shift_right_logical3A_81 = arith.constant 7 : i32
      %shift_right_logical3A_82 = vector.broadcast %shift_right_logical3A_81 : i32 to vector<16xi32>
      %shift_right_logical3A_83 = arith.shrui %get3A_80, %shift_right_logical3A_82 : vector<16xi32>
      %and3A_84 = arith.constant 127 : i32
      %and3A_85 = vector.broadcast %and3A_84 : i32 to vector<16xi32>
      %and3A_86 = arith.andi %get3A_80, %and3A_85 : vector<16xi32>
      tpu.vector_store_idx %arg5[%shift_right_logical3A_83, %and3A_86], %broadcast_in_dim3A_1 {add = true} : memref<80x128xf32, #tpu.memory_space<vmem>>[vector<16xi32>, vector<16xi32>], vector<16xf32>,
    }
    %scan3A_12 = arith.constant 80 : i32
    "tpu.region"() ({
      %run_scoped3A = tpu.sem_alloc : memref<!tpu.dma_semaphore, #tpu.memory_space<semaphore_mem>>
      %dma_start3A = arith.constant 0 : i32
      %dma_start3A_13 = arith.constant 0 : i32
      %dma_start3A_14 = tpu.memref_slice %arg3[%add3A, %dma_start3A, %dma_start3A_13] : memref<32x80x128xf32, #tpu.memory_space<hbm>> -> memref<1x80x128xf32, #tpu.memory_space<hbm>>
      %dma_start3A_15 = tpu.memref_squeeze %dma_start3A_14 : memref<1x80x128xf32, #tpu.memory_space<hbm>> -> memref<80x128xf32, #tpu.memory_space<hbm>>
      %dma_start3A_16 = arith.constant 0 : i32
      %dma_start3A_17 = arith.constant 0 : i32
      %dma_start3A_18 = tpu.memref_slice %arg3[%add3A, %dma_start3A_16, %dma_start3A_17] : memref<32x80x128xf32, #tpu.memory_space<hbm>> -> memref<1x80x128xf32, #tpu.memory_space<hbm>>
      %dma_start3A_19 = tpu.memref_squeeze %dma_start3A_18 : memref<1x80x128xf32, #tpu.memory_space<hbm>> -> memref<80x128xf32, #tpu.memory_space<hbm>>
      tpu.enqueue_dma source(%arg5 : memref<80x128xf32, #tpu.memory_space<vmem>>) target(%dma_start3A_19 : memref<80x128xf32, #tpu.memory_space<hbm>>) target_semaphore(%run_scoped3A : memref<!tpu.dma_semaphore, #tpu.memory_space<semaphore_mem>>)
      %dma_wait3A = arith.constant 0 : i32
      %dma_wait3A_20 = arith.constant 0 : i32
      %dma_wait3A_21 = tpu.memref_slice %arg3[%add3A, %dma_wait3A, %dma_wait3A_20] : memref<32x80x128xf32, #tpu.memory_space<hbm>> -> memref<1x80x128xf32, #tpu.memory_space<hbm>>
      %dma_wait3A_22 = tpu.memref_squeeze %dma_wait3A_21 : memref<1x80x128xf32, #tpu.memory_space<hbm>> -> memref<80x128xf32, #tpu.memory_space<hbm>>
      %dma_wait3A_23 = arith.constant 0 : i32
      %dma_wait3A_24 = arith.constant 0 : i32
      %dma_wait3A_25 = tpu.memref_slice %arg3[%add3A, %dma_wait3A_23, %dma_wait3A_24] : memref<32x80x128xf32, #tpu.memory_space<hbm>> -> memref<1x80x128xf32, #tpu.memory_space<hbm>>
      %dma_wait3A_26 = tpu.memref_squeeze %dma_wait3A_25 : memref<1x80x128xf32, #tpu.memory_space<hbm>> -> memref<80x128xf32, #tpu.memory_space<hbm>>
      tpu.wait_dma2 semaphore(%run_scoped3A : memref<!tpu.dma_semaphore, #tpu.memory_space<semaphore_mem>>) src(%arg5 : memref<80x128xf32, #tpu.memory_space<vmem>>) dst(%dma_wait3A_26 : memref<80x128xf32, #tpu.memory_space<hbm>>)
      tpu.yield
    }) : () -> ()
    return
  }
}

module attributes {stable_mosaic.version = 14 : i64} {
  func.func @_prep_body(%arg0: i32, %arg1: memref<1000x128xf32, #tpu.memory_space<vmem>>, %arg2: memref<128x128xf32, #tpu.memory_space<vmem>>, %arg3: memref<128x128xf32, #tpu.memory_space<vmem>>, %arg4: memref<1x128xf32, #tpu.memory_space<vmem>>, %arg5: memref<1000x128xf32, #tpu.memory_space<vmem>>, %arg6: memref<1000x128xf32, #tpu.memory_space<vmem>>) attributes {dimension_semantics = [#tpu.dimension_semantics<arbitrary>], iteration_bounds = array<i64: 10>, scalar_prefetch = 0 : i64, scratch_operands = 0 : i64, tpu.core_type = #tpu.core_type<tc>, window_params = [{transform_indices = @transform_0, window_bounds = array<i64: 1000, 128>}, {pipeline_mode = #tpu.pipeline_mode<synchronous>, transform_indices = @transform_1, window_bounds = array<i64: 128, 128>}, {pipeline_mode = #tpu.pipeline_mode<synchronous>, transform_indices = @transform_2, window_bounds = array<i64: 128, 128>}, {pipeline_mode = #tpu.pipeline_mode<synchronous>, transform_indices = @transform_3, window_bounds = array<i64: 1, 128>}, {transform_indices = @transform_4, window_bounds = array<i64: 1000, 128>}, {transform_indices = @transform_5, window_bounds = array<i64: 1000, 128>}]} {
    %get3A = arith.constant 0 : index
    %get3A_0 = arith.constant 0 : index
    %get3A_1 = vector.load %arg1[%get3A, %get3A_0] : memref<1000x128xf32, #tpu.memory_space<vmem>>, vector<1000x128xf32>
    %get3A_2 = arith.constant 0 : index
    %get3A_3 = arith.constant 0 : index
    %get3A_4 = vector.load %arg2[%get3A_2, %get3A_3] : memref<128x128xf32, #tpu.memory_space<vmem>>, vector<128x128xf32>
    %dot_general3A = arith.constant dense<0.000000e+00> : vector<1000x128xf32>
    %dot_general3A_5 = tpu.matmul %get3A_1, %get3A_4, %dot_general3A {dimension_numbers = #tpu.dot_dimension_numbers<[1], [1], [0], [0], [0, 0, 1, 0], [], []>, precision = #tpu.contract_precision<fp32>, transpose_lhs_hint = false} : vector<1000x128xf32>, vector<128x128xf32>, vector<1000x128xf32> -> vector<1000x128xf32>
    %swap3A = arith.constant 0 : index
    %swap3A_6 = arith.constant 0 : index
    %swap3A_7 = vector.load %arg5[%swap3A, %swap3A_6] : memref<1000x128xf32, #tpu.memory_space<vmem>>, vector<1000x128xf32>
    tpu.vector_store %arg5[%swap3A, %swap3A_6], %dot_general3A_5 {strides = array<i32>} : memref<1000x128xf32, #tpu.memory_space<vmem>>, vector<1000x128xf32>,
    %get3A_8 = arith.constant 0 : index
    %get3A_9 = arith.constant 0 : index
    %get3A_10 = vector.load %arg3[%get3A_8, %get3A_9] : memref<128x128xf32, #tpu.memory_space<vmem>>, vector<128x128xf32>
    %dot_general3A_11 = arith.constant dense<0.000000e+00> : vector<1000x128xf32>
    %dot_general3A_12 = tpu.matmul %get3A_1, %get3A_10, %dot_general3A_11 {dimension_numbers = #tpu.dot_dimension_numbers<[1], [1], [0], [0], [0, 0, 1, 0], [], []>, precision = #tpu.contract_precision<fp32>, transpose_lhs_hint = false} : vector<1000x128xf32>, vector<128x128xf32>, vector<1000x128xf32> -> vector<1000x128xf32>
    %get3A_13 = arith.constant 0 : index
    %get3A_14 = arith.constant 0 : index
    %get3A_15 = vector.load %arg4[%get3A_13, %get3A_14] : memref<1x128xf32, #tpu.memory_space<vmem>>, vector<1x128xf32>
    %add3A = vector.broadcast %get3A_15 : vector<1x128xf32> to vector<1000x128xf32>
    %add3A_16 = arith.addf %dot_general3A_12, %add3A : vector<1000x128xf32>
    %swap3A_17 = arith.constant 0 : index
    %swap3A_18 = arith.constant 0 : index
    %swap3A_19 = vector.load %arg6[%swap3A_17, %swap3A_18] : memref<1000x128xf32, #tpu.memory_space<vmem>>, vector<1000x128xf32>
    tpu.vector_store %arg6[%swap3A_17, %swap3A_18], %add3A_16 {strides = array<i32>} : memref<1000x128xf32, #tpu.memory_space<vmem>>, vector<1000x128xf32>,
    return
  }
  func.func @transform_0(%arg0: i32) -> (i32, i32) {
    %c0_i32 = arith.constant 0 : i32
    %c0_i32_0 = arith.constant 0 : i32
    return %arg0, %c0_i32 : i32, i32
  }
  func.func @transform_1(%arg0: i32) -> (i32, i32) {
    %c0_i32 = arith.constant 0 : i32
    %c0_i32_0 = arith.constant 0 : i32
    %c0_i32_1 = arith.constant 0 : i32
    return %c0_i32, %c0_i32_0 : i32, i32
  }
  func.func @transform_2(%arg0: i32) -> (i32, i32) {
    %c0_i32 = arith.constant 0 : i32
    %c0_i32_0 = arith.constant 0 : i32
    %c0_i32_1 = arith.constant 0 : i32
    return %c0_i32, %c0_i32_0 : i32, i32
  }
  func.func @transform_3(%arg0: i32) -> (i32, i32) {
    %c0_i32 = arith.constant 0 : i32
    %c0_i32_0 = arith.constant 0 : i32
    %c0_i32_1 = arith.constant 0 : i32
    return %c0_i32, %c0_i32_0 : i32, i32
  }
  func.func @transform_4(%arg0: i32) -> (i32, i32) {
    %c0_i32 = arith.constant 0 : i32
    %c0_i32_0 = arith.constant 0 : i32
    return %arg0, %c0_i32 : i32, i32
  }
  func.func @transform_5(%arg0: i32) -> (i32, i32) {
    %c0_i32 = arith.constant 0 : i32
    %c0_i32_0 = arith.constant 0 : i32
    return %arg0, %c0_i32 : i32, i32
  }
}

module attributes {stable_mosaic.version = 14 : i64} {
  func.func @_deg_body(%arg0: memref<32x80x128xf32, #tpu.memory_space<vmem>>, %arg1: memref<80x128xf32, #tpu.memory_space<vmem>>) attributes {dimension_semantics = [], scalar_prefetch = 0 : i64, scratch_operands = 0 : i64, tpu.core_type = #tpu.core_type<tc>} {
    %get3A = arith.constant 0 : index
    %get3A_0 = arith.constant 0 : index
    %get3A_1 = arith.constant 0 : index
    %get3A_2 = vector.load %arg0[%get3A, %get3A_0, %get3A_1] : memref<32x80x128xf32, #tpu.memory_space<vmem>>, vector<32x80x128xf32>
    %reduce_sum3A = arith.constant dense<0.000000e+00> : vector<80x128xf32>
    %reduce_sum3A_3 = vector.multi_reduction <add>, %get3A_2, %reduce_sum3A [0] : vector<32x80x128xf32> to vector<80x128xf32>
    %max3A = arith.constant 1.000000e+00 : f32
    %max3A_4 = vector.broadcast %max3A : f32 to vector<80x128xf32>
    %max3A_5 = arith.maximumf %reduce_sum3A_3, %max3A_4 : vector<80x128xf32>
    %div3A = arith.constant 1.000000e+00 : f32
    %div3A_6 = vector.broadcast %div3A : f32 to vector<80x128xf32>
    %div3A_7 = arith.divf %div3A_6, %max3A_5 : vector<80x128xf32>
    %swap3A = arith.constant 0 : index
    %swap3A_8 = arith.constant 0 : index
    %swap3A_9 = vector.load %arg1[%swap3A, %swap3A_8] : memref<80x128xf32, #tpu.memory_space<vmem>>, vector<80x128xf32>
    tpu.vector_store %arg1[%swap3A, %swap3A_8], %div3A_7 {strides = array<i32>} : memref<80x128xf32, #tpu.memory_space<vmem>>, vector<80x128xf32>,
    return
  }
}

module attributes {stable_mosaic.version = 14 : i64} {
  func.func @_final_body(%arg0: i32, %arg1: memref<2x2048x128xf32, #tpu.memory_space<vmem>>, %arg2: memref<2048x1xf32, #tpu.memory_space<vmem>>, %arg3: memref<2048x128xf32, #tpu.memory_space<vmem>>, %arg4: memref<2048x128xf32, #tpu.memory_space<vmem>>) attributes {dimension_semantics = [#tpu.dimension_semantics<arbitrary>], iteration_bounds = array<i64: 5>, scalar_prefetch = 0 : i64, scratch_operands = 0 : i64, tpu.core_type = #tpu.core_type<tc>, window_params = [{transform_indices = @transform_0, window_bounds = array<i64: 2, 2048, 128>}, {transform_indices = @transform_1, window_bounds = array<i64: 2048, 1>}, {transform_indices = @transform_2, window_bounds = array<i64: 2048, 128>}, {transform_indices = @transform_3, window_bounds = array<i64: 2048, 128>}]} {
    %get3A = arith.constant 0 : index
    %get3A_0 = arith.constant 0 : index
    %get3A_1 = arith.constant 0 : index
    %get3A_2 = vector.load %arg1[%get3A, %get3A_0, %get3A_1] : memref<2x2048x128xf32, #tpu.memory_space<vmem>>, vector<1x2048x128xf32>
    %get3A_3 = vector.shape_cast %get3A_2 : vector<1x2048x128xf32> to vector<2048x128xf32>
    %get3A_4 = arith.constant 1 : index
    %get3A_5 = arith.constant 0 : index
    %get3A_6 = arith.constant 0 : index
    %get3A_7 = vector.load %arg1[%get3A_4, %get3A_5, %get3A_6] : memref<2x2048x128xf32, #tpu.memory_space<vmem>>, vector<1x2048x128xf32>
    %get3A_8 = vector.shape_cast %get3A_7 : vector<1x2048x128xf32> to vector<2048x128xf32>
    %add3A = arith.addf %get3A_3, %get3A_8 : vector<2048x128xf32>
    %get3A_9 = arith.constant 0 : index
    %get3A_10 = arith.constant 0 : index
    %get3A_11 = vector.load %arg2[%get3A_9, %get3A_10] : memref<2048x1xf32, #tpu.memory_space<vmem>>, vector<2048x1xf32>
    %mul3A = vector.broadcast %get3A_11 : vector<2048x1xf32> to vector<2048x128xf32>
    %mul3A_12 = arith.mulf %add3A, %mul3A : vector<2048x128xf32>
    %get3A_13 = arith.constant 0 : index
    %get3A_14 = arith.constant 0 : index
    %get3A_15 = vector.load %arg3[%get3A_13, %get3A_14] : memref<2048x128xf32, #tpu.memory_space<vmem>>, vector<2048x128xf32>
    %add3A_16 = arith.addf %mul3A_12, %get3A_15 : vector<2048x128xf32>
    %max3A = arith.constant 0.000000e+00 : f32
    %max3A_17 = vector.broadcast %max3A : f32 to vector<2048x128xf32>
    %max3A_18 = arith.maximumf %add3A_16, %max3A_17 : vector<2048x128xf32>
    %swap3A = arith.constant 0 : index
    %swap3A_19 = arith.constant 0 : index
    %swap3A_20 = vector.load %arg4[%swap3A, %swap3A_19] : memref<2048x128xf32, #tpu.memory_space<vmem>>, vector<2048x128xf32>
    tpu.vector_store %arg4[%swap3A, %swap3A_19], %max3A_18 {strides = array<i32>} : memref<2048x128xf32, #tpu.memory_space<vmem>>, vector<2048x128xf32>,
    return
  }
  func.func @transform_0(%arg0: i32) -> (i32, i32, i32) {
    %c0_i32 = arith.constant 0 : i32
    %c0_i32_0 = arith.constant 0 : i32
    %c0_i32_1 = arith.constant 0 : i32
    return %c0_i32, %arg0, %c0_i32_0 : i32, i32, i32
  }
  func.func @transform_1(%arg0: i32) -> (i32, i32) {
    %c0_i32 = arith.constant 0 : i32
    %c0_i32_0 = arith.constant 0 : i32
    return %arg0, %c0_i32 : i32, i32
  }
  func.func @transform_2(%arg0: i32) -> (i32, i32) {
    %c0_i32 = arith.constant 0 : i32
    %c0_i32_0 = arith.constant 0 : i32
    return %arg0, %c0_i32 : i32, i32
  }
  func.func @transform_3(%arg0: i32) -> (i32, i32) {
    %c0_i32 = arith.constant 0 : i32
    %c0_i32_0 = arith.constant 0 : i32
    return %arg0, %c0_i32 : i32, i32
  }
}

</mosaic_0001>

<sc_bundles>
// kernel: kernel.10.cloned.1.call-start
scs
__scs_entry_jumppad:
0x0: {  	(pc) =	sbr.rel $0x88, $3  }
0x1: {  	(tag) =	ssettag $0x0;
	lr =	simm.s32 $0x1  }
0x2: {  	[smem:$0x3F9C] =	sst lr;
	_ =	strace $0xD0000000  }
0x3: {  	_ = 	snop  }
0x4: {  	_ = 	snop  }
0x5: {  	_ = 	snop  }
0x6: {  	_ = 	snop  }
0x7: {  	_ = 	snop  }
__scs_overlays_trampoline_lowered:
0x8: {  	[smem:$0x3FAB] =	sst s0  }
0x9: {  	[smem:$0x3FAC] =	sst s1  }
0xa: {  	[smem:$0x3FAD] =	sst s2  }
0xb: {  	[smem:$0x3FAE] =	sst s3  }
0xc: {  	[smem:$0x3FAF] =	sst s4  }
0xd: {  	[smem:$0x3FB0] =	sst s5  }
0xe: {  	[smem:$0x3FB1] =	sst s6  }
0xf: {  	[smem:$0x3FB2] =	sst s7  }
0x10: {  	[smem:$0x3FB3] =	sst s8  }
0x11: {  	[smem:$0x3FB4] =	sst s9;
	s0 =	simm.s32 @!p0 $0x0  }
0x12: {  	s1 =	sld [smem:$0x3F9A];
	s0 =	simm.s32 @p0 $0x1  }
0x13: {  	[smem:$0x3FB5] =	sst s0;
	s0 =	simm.s32 @!p1 $0x0  }
0x14: {  	s2 =	sld [smem:$0x3F99];
	s0 =	simm.s32 @p1 $0x1  }
0x15: {  	[smem:$0x3FB6] =	sst s0;
	s0 =	simm.s32 @!p2 $0x0  }
0x16: {  	s3 =	sld [smem:$0x3FDB];
	s0 =	simm.s32 @p2 $0x1  }
0x17: {  	s4 =	simm.s32 $0x1BF5;
	[smem:$0x3FB8] =	sst s0  }
0x18: {  	s0 =	sld [smem:$0x3F9B];
	_ =	swait.ge [sflag:s4], $0x0  }
0x19: {  	s7 =	sld [smem:$0x3F9C]  }
0x1a: {  	s8 =	sadd.s32 $0xFFFFE003, lr  }
0x1b: {  	s9 =	sadd.s32 $0xFFFFFEF7, lr;
	s5 =	simm.s32 $0xFFFFFFFF;
	p2 =	slt.u32 s8, $0xFFFFF086  }
0x1c: {  	p1 =	slt.u32 s9, $0xF7A;
	s5 =	simm.s32 @!p2 $0x0  }
0x1d: {  	s5 =	simm.s32 @p1 $0x1;
	p0 =	seq.s32 s7, s2  }
0x1e: {  	s7 =	smul.u32 @!p0 $0xF7A, s2;
	p2 =	seq.s32 @!p0 s5, $0x0  }
0x1f: {  	s9 =	smul.u32 $0xF7A, s1;
	s8 =	simm.s32 @!p0 $0x1BF5;
	p2 =	por !p2, p0  }
0x20: {  	[sflag:s8] =	ssyncset.s32 @!p0 $0xFFFFF086;
	s6 =	sadd.s32 @!p0 s3, s7;
	s7 =	simm.s32 @!p0 $0x108  }
0x21: {  	s3 =	sadd.s32 s3, s9;
	s6 =	sadd.s32 @!p0 $0x88, s6;
	s7 =	simm.s32 @p2 $0x1082  }
0x22: {  	[simem:s7], [sflag:s8] =	dma.local @!p0 [hbm:s6], $0xF7A  }
0x23: {  	s9 =	sor.u32 $0xD0000000, s2;
	s6 =	simm.s32 $0x108;
	_ =	swait.ge @!p0 [sflag:s8], $0x0  }
0x24: {  	s3 =	sadd.s32 $0x88, s3;
	s6 =	simm.s32 @!p1 $0x1082;
	[sflag:s4] =	ssyncset.s32 $0xFFFFF086  }
0x25: {  	[simem:s6], [sflag:s4] =	dma.local [hbm:s3], $0xF7A  }
0x26: {  	[smem:$0x3F9C] =	sst s1;
	(tag) =	ssettag s2;
	_ =	strace s9  }
0x27: {  	s1 =	sld [smem:$0x3FAC]  }
0x28: {  	s2 =	sld [smem:$0x3FAD]  }
0x29: {  	s4 =	sld [smem:$0x3FAF]  }
0x2a: {  	p0 =	seq.s32 s5, $0x0;
	s5 =	sld [smem:$0x3FB0]  }
0x2b: {  	s6 =	sld [smem:$0x3FB1]  }
0x2c: {  	s7 =	sld [smem:$0x3FB2]  }
0x2d: {  	s3 =	simm.s32 $0x108;
	s8 =	sld [smem:$0x3FB3]  }
0x2e: {  	s3 =	simm.s32 @!p0 $0x1082;
	s9 =	sld [smem:$0x3FB4]  }
0x2f: {  	lr =	sadd.s32 s0, s3;
	s0 =	sld [smem:$0x3FAB]  }
0x30: {  	s3 =	sld [smem:$0x3FAE]  }
0x31: {  	[smem:$0x3FB7] =	sst s10  }
0x32: {  	s10 =	sld [smem:$0x3FB5];
	_ =	sdelay $0x3  }
0x33: {  	p0 =	seq.s32 s10, $0x1;
	s10 =	sld [smem:$0x3FB7];
	_ =	sdelay $0x3  }
0x34: {  	[smem:$0x3FB7] =	sst s10  }
0x35: {  	s10 =	sld [smem:$0x3FB6];
	_ =	sdelay $0x3  }
0x36: {  	p1 =	seq.s32 s10, $0x1;
	s10 =	sld [smem:$0x3FB7];
	_ =	sdelay $0x3  }
0x37: {  	[smem:$0x3FB7] =	sst s10  }
0x38: {  	s10 =	sld [smem:$0x3FB8]  }
0x39: {  	_ = 	snop;
	(pc) =	sbr.ind lr, $3  }
0x3a: {  	_ = 	snop  }
0x3b: {  	_ = 	snop  }
0x3c: {  	p2 =	seq.s32 s10, $0x1;
	s10 =	sld [smem:$0x3FB7]  }
0x3d: {  	_ =	shalt  }
0x3e: {  	_ =	shalt  }
0x3f: {  	_ =	shalt  }
0x40: {  	_ =	shalt  }
0x41: {  	_ =	shalt  }
0x42: {  	_ =	shalt  }
0x43: {  	_ =	shalt  }
0x44: {  	_ =	shalt  }
0x45: {  	_ =	shalt  }
0x46: {  	_ =	shalt  }
0x47: {  	_ =	shalt  }
0x48: {  	_ =	shalt  }
0x49: {  	_ =	shalt  }
0x4a: {  	_ =	shalt  }
0x4b: {  	_ =	shalt  }
0x4c: {  	_ =	shalt  }
0x4d: {  	_ =	shalt  }
0x4e: {  	_ =	shalt  }
0x4f: {  	_ =	shalt  }
0x50: {  	_ =	shalt  }
0x51: {  	_ =	shalt  }
0x52: {  	_ =	shalt  }
0x53: {  	_ =	shalt  }
0x54: {  	_ =	shalt  }
0x55: {  	_ =	shalt  }
0x56: {  	_ =	shalt  }
0x57: {  	_ =	shalt  }
0x58: {  	_ =	shalt  }
0x59: {  	_ =	shalt  }
0x5a: {  	_ =	shalt  }
0x5b: {  	_ =	shalt  }
0x5c: {  	_ =	shalt  }
0x5d: {  	_ =	shalt  }
0x5e: {  	_ =	shalt  }
0x5f: {  	_ =	shalt  }
0x60: {  	_ =	shalt  }
0x61: {  	_ =	shalt  }
0x62: {  	_ =	shalt  }
0x63: {  	_ =	shalt  }
0x64: {  	_ =	shalt  }
0x65: {  	_ =	shalt  }
0x66: {  	_ =	shalt  }
0x67: {  	_ =	shalt  }
0x68: {  	_ =	shalt  }
0x69: {  	_ =	shalt  }
0x6a: {  	_ =	shalt  }
0x6b: {  	_ =	shalt  }
0x6c: {  	_ =	shalt  }
0x6d: {  	_ =	shalt  }
0x6e: {  	_ =	shalt  }
0x6f: {  	_ =	shalt  }
0x70: {  	_ =	shalt  }
0x71: {  	_ =	shalt  }
0x72: {  	_ =	shalt  }
0x73: {  	_ =	shalt  }
0x74: {  	_ =	shalt  }
0x75: {  	_ =	shalt  }
0x76: {  	_ =	shalt  }
0x77: {  	_ =	shalt  }
0x78: {  	_ =	shalt  }
0x79: {  	_ =	shalt  }
0x7a: {  	_ =	shalt  }
0x7b: {  	_ =	shalt  }
0x7c: {  	_ =	shalt  }
0x7d: {  	_ =	shalt  }
0x7e: {  	_ =	shalt  }
0x7f: {  	_ =	shalt  }
0x80: {  	_ =	shalt  }
0x81: {  	_ =	shalt  }
0x82: {  	_ =	shalt  }
0x83: {  	_ =	shalt  }
0x84: {  	_ =	shalt  }
0x85: {  	_ =	shalt  }
0x86: {  	_ =	shalt  }
0x87: {  	_ =	shalt  }
.Lfunc_end0:
.L_simem_size_0:
called_computation.1_lowered:
.L_overlay_start_0:
0x88: {  	s2 =	sld [smem:$0x3FD9]  }
0x89: {  	s3 =	sld [smem:$0x3FFE];
	_ =	sdelay $0x1  }
0x8a: {  	s1 =	srdreg.scid  }
0x8b: {  	s0 =	sand.u32 $0x1, s1  }
0x8c: {  	s17 =	sshll.u32 s0, $0xA;
	s2 =	sadd.s32 s3, s2  }
0x8d: {  	s2 =	sadd.s32 s2, s17  }
0x8e: {  	[smem:$0x3FC3] =	sst s2  }
0x8f: {  	_ = 	snop  }
0x90: {  	s18 =	sld [smem:$0x3FD0];
	(tm) =	ssettm $0x1  }
0x91: {  	s19 =	sld [smem:$0x3FFB];
	_ =	sdelay $0x3  }
0x92: {  	_ =	strace s19  }
0x93: {  	s2 =	sld [smem:$0x3FFC];
	_ =	sdelay $0x3  }
0x94: {  	_ =	strace s2  }
0x95: {  	s2 =	sld [smem:$0x3FFD];
	_ =	sdelay $0x3  }
0x96: {  	_ =	strace s2  }
0x97: {  	_ =	strace $0x8FFFFFFF  }
0x98: {  	s20 =	sld [smem:$0x3FDB];
	_ =	sdelay $0x1  }
0x99: {  	s4 =	simm.s32 $_scs_section_size  }
0x9a: {  	s5 =	simm.s32 $_size__tile_overlayer_lowered;
	s6 =	simm.s32 $_tile_overlayer_lowered  }
0x9b: {  	s7 =	simm.s32 $0x1BFF;
	s21 =	sshll.u32 s6, $0x1;
	s4 =	sadd.s32 s4, s20  }
0x9c: {  	s22 =	simm.s32 $0x0;
	s5 =	sshll.u32 s5, $0x1;
	s6 =	sadd.s32 s21, s4  }
0x9d: {  	[timem:s22], [sflag:s7] =	dma.local [hbm:s6], s5  }
0x9e: {  	_ =	swait.ge [sflag:s7], s5  }
0x9f: {  	s5 =	ssub.s32 $0x0, s5;
	[sflag:s7] =	ssyncset.done $0x0  }
0xa0: {  	[sflag:s7] =	ssyncadd.s32 s5;
	_ =	sdelay $0x1  }
0xa1: {  	s23 =	simm.s32 $0x1B8B  }
0xa2: {  	_ =	swait.ge [sflag:s23], $0x1  }
0xa3: {  	[sflag:s23] =	ssyncset.done $0x0  }
0xa4: {  	[sflag:s23] =	ssyncadd.s32 $0xFFFFFFFF  }
0xa5: {  	s5 =	sld [smem:$0x0]  }
0xa6: {  	s6 =	sand.u32 $0xFFFFFFFE, s1  }
0xa7: {  	p0 =	sne.s32 s1, s6  }
0xa8: {  	s6 =	sshll.u32 @p0 s6, $0xE  }
0xa9: {  	s6 =	sadd.s32 @p0 $0x11B8D, s6;
	s7 =	sshll.u32 @p0 s5, $0x11  }
0xaa: {  	s6 =	sor.u32 @p0 s7, s6  }
0xab: {  	[sflag:s6] =	ssyncadd.remote.s32 @p0 $0x1;
	_ =	sdelay $0x1  }
0xac: {  	s6 =	simm.s32 @p0 $0x1B8D  }
0xad: {  	_ =	swait.eq @p0 [sflag:s6], $0x1  }
0xae: {  	[sflag:s6] =	ssyncadd.s32 @p0 $0xFFFFFFFF  }
0xaf: {  	s7 =	sshll.u32 @!p0 s1, $0xE  }
0xb0: {  	s7 =	sor.u32 @!p0 $0x4000, s7;
	s6 =	simm.s32 @!p0 $0x1B8D  }
0xb1: {  	s5 =	sshll.u32 @!p0 s5, $0x11;
	s7 =	sadd.s32 @!p0 $0x11B8D, s7;
	_ =	swait.eq @!p0 [sflag:s6], $0x1  }
0xb2: {  	s5 =	sor.u32 @!p0 s5, s7;
	[sflag:s6] =	ssyncadd.s32 @!p0 $0xFFFFFFFF  }
0xb3: {  	s25 =	simm.s32 $0x1B8E;
	s24 =	sld [smem:$0x3FFE];
	[sflag:s5] =	ssyncadd.remote.s32 @!p0 $0x1  }
0xb4: {  	s26 =	simm.s32 $execute0_lowered;
	[smem:$0x3FD2] =	sst s25  }
0xb5: {  	s6 =	sshll.u32 s26, $0x1;
	_ =	strace $0x80000049;
	[dreg:$0x1] =	wrdreg $0xFFFFFFFF  }
0xb6: {  	s28 =	simm.s32 $_size_execute0_lowered;
	s4 =	sadd.s32 s4, s6;
	[dreg:$0x0] =	wrdreg $0x0  }
0xb7: {  	s6 =	sshll.u32 s28, $0x1;
	[dreg:$0x2] =	wrdreg s4  }
0xb8: {  	[dreg:$0x3] =	wrdreg s6  }
0xb9: {  	[dreg:$0x4] =	wrdreg $0xC0  }
0xba: {  	_ =	task [dreg:s22], $0x5FFFF  }
0xbb: {  	[dreg:$0x1] =	wrdreg $0xFFFFFFFF  }
0xbc: {  	[dreg:$0x0] =	wrdreg $0x60  }
0xbd: {  	[dreg:$0x2] =	wrdreg s24  }
0xbe: {  	[dreg:$0x3] =	wrdreg s18  }
0xbf: {  	[dreg:$0x4] =	wrdreg $0x88000  }
0xc0: {  	[dreg:$0x5] =	wrdreg $0xA  }
0xc1: {  	_ =	task.clear_ibuf [dreg:s22], $0x6FFFF;
	_ =	strace $0x90000049  }
0xc2: {  	s29 =	simm.s32 $0xA;
	_ =	strace $0x8000004B  }
0xc3: {  	_ =	swait.ge [sflag:s29], $0x1  }
0xc4: {  	[sflag:s29] =	ssyncadd.s32 $0xFFFFFFFF  }
0xc5: {  	_ =	strace $0x9000004B  }
0xc6: {  	_ =	sfence  }
0xc7: {  	s30 =	sld [smem:$0x0];
	_ =	sdelay $0x2  }
0xc8: {  	s31 =	sshll.u32 s1, $0xD;
	s1 =	sshrl.u32 s1, $0x2  }
0xc9: {  	s4 =	sand.u32 $0x4000, s31;
	s1 =	sadd.s32 s1, s30  }
0xca: {  	s0 =	sor.u32 s4, s0;
	s1 =	sshll.u32 s1, $0x11  }
0xcb: {  	s0 =	sor.u32 s1, s0  }
0xcc: {  	s0 =	sadd.s32 $0x8F2B, s0  }
0xcd: {  	[sflag:s0] =	ssyncadd.remote.s32 $0x1  }
0xce: {  	_ =	sfence.sel $0xFFFF  }
0xcf: {  	[dreg:$0x0] =	wrdreg $0xFFFFFFFF;
	(pc) =	sbr.abs _section_cstart, $3  }
0xd0: {  	[dreg:$0x1] =	wrdreg $0xFFFFFFFF  }
0xd1: {  	_ =	task.clear_ibuf [dreg:s22], $0x2FFFF;
	_ =	strace $0x9FFFFFFF  }
0xd2: {  	(tm) =	ssettm $0x7FFFFFFF  }
0xd3: {  	_ =	shalt  }
tec
execute0_lowered:
.L_overlay_start_1:
0x0: {  	(tag) =	ssettag $0x1  }
0x1: {  	s0 =	rddreg [dreg:$0x0]  }
0x2: {  	s2 =	rddreg [dreg:$0x1];
	s1 =	srdreg.scid  }
0x3: {  	s3 =	rddreg [dreg:$0x2];
	s8 =	stileid.u32;
	s4 =	simm.s32 $0x0  }
0x4: {  	s14 =	simm.s32 $0x800;
	s15 =	simm.s32 $0x3;
	s16 =	simm.s32 $0x400  }
0x5: {  	s17 =	simm.s32 $0x80;
	s28 =	simm.s32 $0x280;
	s6 =	smul.u32 $0x13C00, s8  }
0x6: {  	s29 =	simm.s32 $0x600;
	s1 =	sand.u32 $0x1, s1;
	s18 =	smul.u32 $0x4F000, s8  }
0x7: {  	s30 =	simm.s32 $0x300;
	s31 =	simm.s32 $0x680;
	s5 =	smul.u32 $0x13C000, s1  }
0x8: {  	[smem:$0x7FF] =	sst s4;
	s7 =	smul.u32 $0x5000, s1;
	s1 =	ssub.s32 $0x2, s1  }
0x9: {  	s20 =	smul.u32 $0x500, s8;
	_ =	strace $0x8000004A;
	s19 =	sshrl.u32 s1, $0x1  }
0xa: {  	s5 =	sadd.s32 s6, s5;
	s7 =	sadd.s32 s7, s0;
	s6 =	sshrl.u32 s18, $0x2  }
0xb: {  	s1 =	ssub.s32 s1, s19;
	s18 =	simm.s32 $0x4800;
	s19 =	simm.s32 $0x1  }
0xc: {  	s5 =	sshrl.u32 s5, $0x3;
	s10 =	sadd.s32 s6, s3;
	s22 =	smax.u32 s1, $0x1  }
0xd: {  	s25 =	sadd.s32 s20, s7;
	s20 =	simm.s32 $0x100;
	s1 =	simm.s32 $0x700  }
0xe: {  	s6 =	simm.s32 $0x780;
	s7 =	simm.s32 $0x0;
	[dreg:$0x7] =	wrdreg s22  }
0xf: {  	s0 =	sadd.s32 s5, s0;
	s21 =	sadd.s32 $0x10000, s10;
	[dreg:$0x4] =	wrdreg s10  }
0x10: {  	s23 =	sadd.s32 $0x4000, s10;
	s24 =	sadd.s32 $0x8000, s10;
	[dreg:$0x5] =	wrdreg s21  }
0x11: {  	s26 =	sadd.s32 $0xC000, s10;
	s12 =	sadd.s32 $0x1800, s25;
	[dreg:$0x8] =	wrdreg s23  }
0x12: {  	s13 =	sadd.s32 $0xB800, s25;
	s22 =	simm.s32 $0x480;
	[dreg:$0x9] =	wrdreg s24  }
0x13: {  	s25 =	simm.s32 $0x200;
	s0 =	sadd.s32 $0x1F800, s0;
	[dreg:$0xa] =	wrdreg s26  }
0x14: {  	s21 =	simm.s32 $0x2;
	s23 =	simm.s32 $0x180;
	s24 =	simm.s32 $0x500  }
0x15: {  	v0 =	vimm.f32 $0.0e+00;
	s26 =	simm.s32 $0x580;
	[dreg:$0x6] =	wrdreg s0;
	s0 =	simm.s32 $0x380  }
.LBB2_1:
0x16: {  	s8 =	simm.s32 $0x0;
	s9 =	simm.s32 $0x200  }
.LBB2_2:
0x17: {  	p0 =	sne.s32 s9, $0xFE00;
	[tilespmem:s8+$0x870] =	vst v0  }
0x18: {  	[tilespmem:s8+$0x800] =	vst v0  }
0x19: {  	[tilespmem:s8+$0x810] =	vst v0  }
.Ltmp0:
0x1a: {  	[tilespmem:s8+$0x820] =	vst v0;
	(pc) =	sbr.rel @p0 .LBB2_2-.Ltmp0, $4  }
0x1b: {  	[tilespmem:s8+$0x830] =	vst v0  }
0x1c: {  	[tilespmem:s8+$0x840] =	vst v0  }
0x1d: {  	[tilespmem:s8+$0x850] =	vst v0  }
0x1e: {  	[tilespmem:s8+$0x860] =	vst v0;
	s8 =	sshra.s32 s9, $0x2;
	s9 =	sadd.s32 $0x200, s9  }
0x1f: {  	[tilespmem:s8+$0x870] =	vst v0  }
0x20: {  	[tilespmem:s8+$0x800] =	vst v0  }
0x21: {  	[tilespmem:s8+$0x810] =	vst v0  }
0x22: {  	[tilespmem:s8+$0x820] =	vst v0  }
0x23: {  	[tilespmem:s8+$0x830] =	vst v0  }
0x24: {  	[tilespmem:s8+$0x840] =	vst v0  }
0x25: {  	[tilespmem:s8+$0x850] =	vst v0  }
0x26: {  	[tilespmem:s8+$0x860] =	vst v0  }
0x27: {  	[spmem:s10] =	stream.linear.scatter [tilespmem:s14], [sflag:$0x3], $0x4000, $0x38;
	[tilespmem:$0x1C400] =	vst v63  }
0x28: {  	_ =	swait.ge [sflag:s15], $0x4000  }
0x29: {  	[sflag:s15] =	ssyncset.done $0x0  }
0x2a: {  	s5 =	rddreg [dreg:$0x8];
	[sflag:s15] =	ssyncadd.s32 $0xFFFFC000  }
0x2b: {  	[spmem:s5] =	stream.linear.scatter [tilespmem:s14], [sflag:$0x3], $0x4000, $0x38;
	[tilespmem:$0x1C400] =	vst v63  }
0x2c: {  	_ =	swait.ge [sflag:s15], $0x4000  }
0x2d: {  	[sflag:s15] =	ssyncset.done $0x0  }
0x2e: {  	s11 =	rddreg [dreg:$0x9];
	[sflag:s15] =	ssyncadd.s32 $0xFFFFC000  }
0x2f: {  	[spmem:s11] =	stream.linear.scatter [tilespmem:s14], [sflag:$0x3], $0x4000, $0x38;
	[tilespmem:$0x1C400] =	vst v63  }
0x30: {  	_ =	swait.ge [sflag:s15], $0x4000  }
0x31: {  	[sflag:s15] =	ssyncset.done $0x0  }
0x32: {  	s8 =	rddreg [dreg:$0xa];
	[sflag:s15] =	ssyncadd.s32 $0xFFFFC000  }
0x33: {  	[spmem:s8] =	stream.linear.scatter [tilespmem:s14], [sflag:$0x3], $0x4000, $0x38;
	[tilespmem:$0x1C400] =	vst v63  }
0x34: {  	_ =	swait.ge [sflag:s15], $0x4000  }
0x35: {  	[sflag:s15] =	ssyncset.done $0x0  }
0x36: {  	s9 =	rddreg [dreg:$0x5];
	[sflag:s15] =	ssyncadd.s32 $0xFFFFC000  }
0x37: {  	[spmem:s9] =	stream.linear.scatter [tilespmem:s14], [sflag:$0x3], $0x3C00, $0x38;
	[tilespmem:$0x1C400] =	vst v63  }
0x38: {  	_ =	swait.ge [sflag:s15], $0x3C00  }
0x39: {  	[sflag:s15] =	ssyncset.done $0x0  }
0x3a: {  	[sflag:s15] =	ssyncadd.s32 $0xFFFFC400  }
0x3b: {  	s10 =	sadd.s32 $0x0, s13;
	[bflag:$0x0] =	sbarrier.arrive $0xFFFF  }
0x3c: {  	[tilespmem:s4], [sflag:$0x3] =	stream.linear.gather [hbm4b:s10+s4], $0x400, $0x38;
	[tilespmem:$0x1C400] =	vst v63  }
0x3d: {  	_ =	swait.ge [sflag:s15], $0x400  }
0x3e: {  	[sflag:s15] =	ssyncset.done $0x0  }
0x3f: {  	s11 =	sadd.s32 $0x0, s12;
	[sflag:s15] =	ssyncadd.s32 $0xFFFFFC00  }
0x40: {  	[tilespmem:s16], [sflag:$0x3] =	stream.linear.gather [hbm4b:s11+s4], $0x400, $0x38;
	[tilespmem:$0x1C400] =	vst v63  }
0x41: {  	_ =	swait.ge [sflag:s15], $0x400  }
0x42: {  	[sflag:s15] =	ssyncset.done $0x0  }
0x43: {  	[sflag:s15] =	ssyncadd.s32 $0xFFFFFC00  }
0x44: {  	[tilespmem:s14], [sflag:$0x1] =	stream.indirect.gather [hbm4b:s2+s17], $0x80, s4, s17, $0xb8;
	[tilespmem:$0x1C400] =	vst v63  }
0x45: {  	_ = 	snop  }
0x46: {  	[tilespmem:s18], [sflag:$0x2] =	stream.indirect.gather [hbm4b:s2+s17], $0x80, s17, s17, $0xb8;
	[tilespmem:$0x1C400] =	vst v63  }
0x47: {  	_ =	swait.ge [sflag:s19], $0x4000  }
0x48: {  	[sflag:s19] =	ssyncset.done $0x0  }
0x49: {  	[sflag:s19] =	ssyncadd.s32 $0xFFFFC000  }
0x4a: {  	[spmem:s3] =	stream.indirect.scatter.add.f32 [tilespmem:s14], [sflag:$0x3], $0x80, s16, s17, $0xb8;
	[tilespmem:$0x1C400] =	vst v63  }
0x4b: {  	_ =	swait.ge [sflag:s15], $0x4000  }
0x4c: {  	[sflag:s15] =	ssyncset.done $0x0  }
0x4d: {  	[sflag:s15] =	ssyncadd.s32 $0xFFFFC000  }
0x4e: {  	[tilespmem:s14], [sflag:$0x1] =	stream.indirect.gather [hbm4b:s2+s17], $0x80, s20, s17, $0xb8;
	[tilespmem:$0x1C400] =	vst v63  }
0x4f: {  	_ =	swait.ge [sflag:s21], $0x4000  }
0x50: {  	[sflag:s21] =	ssyncset.done $0x0  }
0x51: {  	[sflag:s21] =	ssyncadd.s32 $0xFFFFC000  }
0x52: {  	[spmem:s3] =	stream.indirect.scatter.add.f32 [tilespmem:s18], [sflag:$0x3], $0x80, s22, s17, $0xb8;
	[tilespmem:$0x1C400] =	vst v63  }
0x53: {  	_ =	swait.ge [sflag:s15], $0x4000  }
0x54: {  	[sflag:s15] =	ssyncset.done $0x0  }
0x55: {  	[sflag:s15] =	ssyncadd.s32 $0xFFFFC000  }
0x56: {  	[tilespmem:s18], [sflag:$0x2] =	stream.indirect.gather [hbm4b:s2+s17], $0x80, s23, s17, $0xb8;
	[tilespmem:$0x1C400] =	vst v63  }
0x57: {  	_ =	swait.ge [sflag:s19], $0x4000  }
0x58: {  	[sflag:s19] =	ssyncset.done $0x0  }
0x59: {  	[sflag:s19] =	ssyncadd.s32 $0xFFFFC000  }
0x5a: {  	[spmem:s3] =	stream.indirect.scatter.add.f32 [tilespmem:s14], [sflag:$0x3], $0x80, s24, s17, $0xb8;
	[tilespmem:$0x1C400] =	vst v63  }
0x5b: {  	_ =	swait.ge [sflag:s15], $0x4000  }
0x5c: {  	[sflag:s15] =	ssyncset.done $0x0  }
0x5d: {  	[sflag:s15] =	ssyncadd.s32 $0xFFFFC000  }
0x5e: {  	[tilespmem:s14], [sflag:$0x1] =	stream.indirect.gather [hbm4b:s2+s17], $0x80, s25, s17, $0xb8;
	[tilespmem:$0x1C400] =	vst v63  }
0x5f: {  	_ =	swait.ge [sflag:s21], $0x4000  }
0x60: {  	[sflag:s21] =	ssyncset.done $0x0  }
0x61: {  	[sflag:s21] =	ssyncadd.s32 $0xFFFFC000  }
0x62: {  	[spmem:s3] =	stream.indirect.scatter.add.f32 [tilespmem:s18], [sflag:$0x3], $0x80, s26, s17, $0xb8;
	[tilespmem:$0x1C400] =	vst v63  }
0x63: {  	_ =	swait.ge [sflag:s15], $0x4000  }
0x64: {  	[sflag:s15] =	ssyncset.done $0x0  }
0x65: {  	[sflag:s15] =	ssyncadd.s32 $0xFFFFC000  }
0x66: {  	[tilespmem:s18], [sflag:$0x2] =	stream.indirect.gather [hbm4b:s2+s17], $0x80, s28, s17, $0xb8;
	[tilespmem:$0x1C400] =	vst v63  }
0x67: {  	_ =	swait.ge [sflag:s19], $0x4000  }
0x68: {  	[sflag:s19] =	ssyncset.done $0x0  }
0x69: {  	[sflag:s19] =	ssyncadd.s32 $0xFFFFC000  }
0x6a: {  	[spmem:s3] =	stream.indirect.scatter.add.f32 [tilespmem:s14], [sflag:$0x3], $0x80, s29, s17, $0xb8;
	[tilespmem:$0x1C400] =	vst v63  }
0x6b: {  	_ =	swait.ge [sflag:s15], $0x4000  }
0x6c: {  	[sflag:s15] =	ssyncset.done $0x0  }
0x6d: {  	[sflag:s15] =	ssyncadd.s32 $0xFFFFC000  }
0x6e: {  	[tilespmem:s14], [sflag:$0x1] =	stream.indirect.gather [hbm4b:s2+s17], $0x80, s30, s17, $0xb8;
	[tilespmem:$0x1C400] =	vst v63  }
0x6f: {  	_ =	swait.ge [sflag:s21], $0x4000  }
0x70: {  	[sflag:s21] =	ssyncset.done $0x0  }
0x71: {  	[sflag:s21] =	ssyncadd.s32 $0xFFFFC000  }
0x72: {  	[spmem:s3] =	stream.indirect.scatter.add.f32 [tilespmem:s18], [sflag:$0x3], $0x80, s31, s17, $0xb8;
	[tilespmem:$0x1C400] =	vst v63  }
0x73: {  	_ =	swait.ge [sflag:s15], $0x4000  }
0x74: {  	[sflag:s15] =	ssyncset.done $0x0  }
0x75: {  	[sflag:s15] =	ssyncadd.s32 $0xFFFFC000  }
0x76: {  	[tilespmem:s18], [sflag:$0x2] =	stream.indirect.gather [hbm4b:s2+s17], $0x80, s0, s17, $0xb8;
	[tilespmem:$0x1C400] =	vst v63  }
0x77: {  	_ =	swait.ge [sflag:s19], $0x4000  }
0x78: {  	[sflag:s19] =	ssyncset.done $0x0  }
0x79: {  	[sflag:s19] =	ssyncadd.s32 $0xFFFFC000  }
0x7a: {  	[spmem:s3] =	stream.indirect.scatter.add.f32 [tilespmem:s14], [sflag:$0x3], $0x80, s1, s17, $0xb8;
	[tilespmem:$0x1C400] =	vst v63  }
0x7b: {  	_ =	swait.ge [sflag:s15], $0x4000  }
0x7c: {  	[sflag:s15] =	ssyncset.done $0x0  }
0x7d: {  	[sflag:s15] =	ssyncadd.s32 $0xFFFFC000  }
0x7e: {  	_ =	swait.ge [sflag:s21], $0x4000  }
0x7f: {  	[sflag:s21] =	ssyncset.done $0x0  }
0x80: {  	[sflag:s21] =	ssyncadd.s32 $0xFFFFC000  }
0x81: {  	[spmem:s3] =	stream.indirect.scatter.add.f32 [tilespmem:s18], [sflag:$0x3], $0x80, s6, s17, $0xb8;
	[tilespmem:$0x1C400] =	vst v63  }
0x82: {  	_ =	swait.ge [sflag:s15], $0x4000  }
0x83: {  	s8 =	simm.s32 $0x80;
	s9 =	simm.s32 $0x100;
	[sflag:s15] =	ssyncset.done $0x0  }
.LBB2_4:
0x84: {  	s11 =	sadd.s32 s8, s13  }
0x85: {  	[sflag:s15] =	ssyncadd.s32 $0xFFFFC000;
	s5 =	smov.u32 s9;
	s10 =	sadd.s32 $0x80, s9  }
0x86: {  	[tilespmem:s4], [sflag:$0x3] =	stream.linear.gather [hbm4b:s11+s4], $0x400, $0x38;
	[tilespmem:$0x1C400] =	vst v63  }
0x87: {  	p0 =	sne.s32 s9, $0x480;
	_ =	swait.ge [sflag:s15], $0x400  }
0x88: {  	[sflag:s15] =	ssyncset.done $0x0  }
0x89: {  	s9 =	sadd.s32 s8, s12;
	s8 =	smov.u32 s5;
	[sflag:s15] =	ssyncadd.s32 $0xFFFFFC00  }
0x8a: {  	[tilespmem:s16], [sflag:$0x3] =	stream.linear.gather [hbm4b:s9+s4], $0x400, $0x38;
	[tilespmem:$0x1C400] =	vst v63  }
0x8b: {  	_ =	swait.ge [sflag:s15], $0x400  }
0x8c: {  	[sflag:s15] =	ssyncset.done $0x0  }
0x8d: {  	[sflag:s15] =	ssyncadd.s32 $0xFFFFFC00  }
0x8e: {  	[tilespmem:s14], [sflag:$0x1] =	stream.indirect.gather [hbm4b:s2+s17], $0x80, s4, s17, $0xb8;
	[tilespmem:$0x1C400] =	vst v63  }
0x8f: {  	_ = 	snop  }
0x90: {  	[tilespmem:s18], [sflag:$0x2] =	stream.indirect.gather [hbm4b:s2+s17], $0x80, s17, s17, $0xb8;
	[tilespmem:$0x1C400] =	vst v63  }
0x91: {  	_ =	swait.ge [sflag:s19], $0x4000  }
0x92: {  	[sflag:s19] =	ssyncset.done $0x0  }
0x93: {  	[sflag:s19] =	ssyncadd.s32 $0xFFFFC000  }
0x94: {  	[spmem:s3] =	stream.indirect.scatter.add.f32 [tilespmem:s14], [sflag:$0x3], $0x80, s16, s17, $0xb8;
	[tilespmem:$0x1C400] =	vst v63  }
0x95: {  	_ =	swait.ge [sflag:s15], $0x4000  }
0x96: {  	[sflag:s15] =	ssyncset.done $0x0  }
0x97: {  	[sflag:s15] =	ssyncadd.s32 $0xFFFFC000  }
0x98: {  	[tilespmem:s14], [sflag:$0x1] =	stream.indirect.gather [hbm4b:s2+s17], $0x80, s20, s17, $0xb8;
	[tilespmem:$0x1C400] =	vst v63  }
0x99: {  	_ =	swait.ge [sflag:s21], $0x4000  }
0x9a: {  	[sflag:s21] =	ssyncset.done $0x0  }
0x9b: {  	[sflag:s21] =	ssyncadd.s32 $0xFFFFC000  }
0x9c: {  	[spmem:s3] =	stream.indirect.scatter.add.f32 [tilespmem:s18], [sflag:$0x3], $0x80, s22, s17, $0xb8;
	[tilespmem:$0x1C400] =	vst v63  }
0x9d: {  	_ =	swait.ge [sflag:s15], $0x4000  }
0x9e: {  	[sflag:s15] =	ssyncset.done $0x0  }
0x9f: {  	[sflag:s15] =	ssyncadd.s32 $0xFFFFC000  }
0xa0: {  	[tilespmem:s18], [sflag:$0x2] =	stream.indirect.gather [hbm4b:s2+s17], $0x80, s23, s17, $0xb8;
	[tilespmem:$0x1C400] =	vst v63  }
0xa1: {  	_ =	swait.ge [sflag:s19], $0x4000  }
0xa2: {  	[sflag:s19] =	ssyncset.done $0x0  }
0xa3: {  	[sflag:s19] =	ssyncadd.s32 $0xFFFFC000  }
0xa4: {  	[spmem:s3] =	stream.indirect.scatter.add.f32 [tilespmem:s14], [sflag:$0x3], $0x80, s24, s17, $0xb8;
	[tilespmem:$0x1C400] =	vst v63  }
0xa5: {  	_ =	swait.ge [sflag:s15], $0x4000  }
0xa6: {  	[sflag:s15] =	ssyncset.done $0x0  }
0xa7: {  	[sflag:s15] =	ssyncadd.s32 $0xFFFFC000  }
0xa8: {  	[tilespmem:s14], [sflag:$0x1] =	stream.indirect.gather [hbm4b:s2+s17], $0x80, s25, s17, $0xb8;
	[tilespmem:$0x1C400] =	vst v63  }
0xa9: {  	_ =	swait.ge [sflag:s21], $0x4000  }
0xaa: {  	[sflag:s21] =	ssyncset.done $0x0  }
0xab: {  	[sflag:s21] =	ssyncadd.s32 $0xFFFFC000  }
0xac: {  	[spmem:s3] =	stream.indirect.scatter.add.f32 [tilespmem:s18], [sflag:$0x3], $0x80, s26, s17, $0xb8;
	[tilespmem:$0x1C400] =	vst v63  }
0xad: {  	_ =	swait.ge [sflag:s15], $0x4000  }
0xae: {  	[sflag:s15] =	ssyncset.done $0x0  }
0xaf: {  	[sflag:s15] =	ssyncadd.s32 $0xFFFFC000  }
0xb0: {  	[tilespmem:s18], [sflag:$0x2] =	stream.indirect.gather [hbm4b:s2+s17], $0x80, s28, s17, $0xb8;
	[tilespmem:$0x1C400] =	vst v63  }
0xb1: {  	_ =	swait.ge [sflag:s19], $0x4000  }
0xb2: {  	[sflag:s19] =	ssyncset.done $0x0  }
0xb3: {  	[sflag:s19] =	ssyncadd.s32 $0xFFFFC000  }
0xb4: {  	[spmem:s3] =	stream.indirect.scatter.add.f32 [tilespmem:s14], [sflag:$0x3], $0x80, s29, s17, $0xb8;
	[tilespmem:$0x1C400] =	vst v63  }
0xb5: {  	_ =	swait.ge [sflag:s15], $0x4000  }
0xb6: {  	[sflag:s15] =	ssyncset.done $0x0  }
0xb7: {  	[sflag:s15] =	ssyncadd.s32 $0xFFFFC000  }
0xb8: {  	[tilespmem:s14], [sflag:$0x1] =	stream.indirect.gather [hbm4b:s2+s17], $0x80, s30, s17, $0xb8;
	[tilespmem:$0x1C400] =	vst v63  }
0xb9: {  	_ =	swait.ge [sflag:s21], $0x4000  }
0xba: {  	[sflag:s21] =	ssyncset.done $0x0  }
0xbb: {  	[sflag:s21] =	ssyncadd.s32 $0xFFFFC000  }
0xbc: {  	[spmem:s3] =	stream.indirect.scatter.add.f32 [tilespmem:s18], [sflag:$0x3], $0x80, s31, s17, $0xb8;
	[tilespmem:$0x1C400] =	vst v63  }
0xbd: {  	_ =	swait.ge [sflag:s15], $0x4000  }
0xbe: {  	[sflag:s15] =	ssyncset.done $0x0  }
0xbf: {  	[sflag:s15] =	ssyncadd.s32 $0xFFFFC000  }
0xc0: {  	[tilespmem:s18], [sflag:$0x2] =	stream.indirect.gather [hbm4b:s2+s17], $0x80, s0, s17, $0xb8;
	[tilespmem:$0x1C400] =	vst v63  }
0xc1: {  	_ =	swait.ge [sflag:s19], $0x4000  }
0xc2: {  	[sflag:s19] =	ssyncset.done $0x0  }
0xc3: {  	[sflag:s19] =	ssyncadd.s32 $0xFFFFC000  }
0xc4: {  	[spmem:s3] =	stream.indirect.scatter.add.f32 [tilespmem:s14], [sflag:$0x3], $0x80, s1, s17, $0xb8;
	[tilespmem:$0x1C400] =	vst v63  }
0xc5: {  	_ =	swait.ge [sflag:s15], $0x4000  }
0xc6: {  	[sflag:s15] =	ssyncset.done $0x0  }
0xc7: {  	[sflag:s15] =	ssyncadd.s32 $0xFFFFC000  }
0xc8: {  	_ =	swait.ge [sflag:s21], $0x4000  }
.Ltmp1:
0xc9: {  	[sflag:s21] =	ssyncset.done $0x0;
	(pc) =	sbr.rel @p0 .LBB2_4-.Ltmp1, $4  }
0xca: {  	[sflag:s21] =	ssyncadd.s32 $0xFFFFC000  }
0xcb: {  	[spmem:s3] =	stream.indirect.scatter.add.f32 [tilespmem:s18], [sflag:$0x3], $0x80, s6, s17, $0xb8;
	[tilespmem:$0x1C400] =	vst v63  }
0xcc: {  	_ =	swait.ge [sflag:s15], $0x4000  }
0xcd: {  	s9 =	smov.u32 s10;
	[sflag:s15] =	ssyncset.done $0x0  }
0xce: {  	s5 =	sadd.s32 s8, s13;
	[sflag:s15] =	ssyncadd.s32 $0xFFFFC000  }
0xcf: {  	[tilespmem:s4], [sflag:$0x3] =	stream.linear.gather [hbm4b:s5+s4], $0x400, $0x38;
	[tilespmem:$0x1C400] =	vst v63  }
0xd0: {  	_ =	swait.ge [sflag:s15], $0x400  }
0xd1: {  	[sflag:s15] =	ssyncset.done $0x0  }
0xd2: {  	s9 =	sadd.s32 s8, s12;
	[sflag:s15] =	ssyncadd.s32 $0xFFFFFC00  }
0xd3: {  	[tilespmem:s16], [sflag:$0x3] =	stream.linear.gather [hbm4b:s9+s4], $0x400, $0x38;
	[tilespmem:$0x1C400] =	vst v63  }
0xd4: {  	_ =	swait.ge [sflag:s15], $0x400  }
0xd5: {  	[sflag:s15] =	ssyncset.done $0x0  }
0xd6: {  	[sflag:s15] =	ssyncadd.s32 $0xFFFFFC00  }
0xd7: {  	[tilespmem:s14], [sflag:$0x1] =	stream.indirect.gather [hbm4b:s2+s17], $0x80, s4, s17, $0xb8;
	[tilespmem:$0x1C400] =	vst v63  }
0xd8: {  	_ = 	snop  }
0xd9: {  	[tilespmem:s18], [sflag:$0x2] =	stream.indirect.gather [hbm4b:s2+s17], $0x80, s17, s17, $0xb8;
	[tilespmem:$0x1C400] =	vst v63  }
0xda: {  	_ =	swait.ge [sflag:s19], $0x4000  }
0xdb: {  	[sflag:s19] =	ssyncset.done $0x0  }
0xdc: {  	[sflag:s19] =	ssyncadd.s32 $0xFFFFC000  }
0xdd: {  	[spmem:s3] =	stream.indirect.scatter.add.f32 [tilespmem:s14], [sflag:$0x3], $0x80, s16, s17, $0xb8;
	[tilespmem:$0x1C400] =	vst v63  }
0xde: {  	_ =	swait.ge [sflag:s15], $0x4000  }
0xdf: {  	[sflag:s15] =	ssyncset.done $0x0  }
0xe0: {  	[sflag:s15] =	ssyncadd.s32 $0xFFFFC000  }
0xe1: {  	[tilespmem:s14], [sflag:$0x1] =	stream.indirect.gather [hbm4b:s2+s17], $0x80, s20, s17, $0xb8;
	[tilespmem:$0x1C400] =	vst v63  }
0xe2: {  	_ =	swait.ge [sflag:s21], $0x4000  }
0xe3: {  	[sflag:s21] =	ssyncset.done $0x0  }
0xe4: {  	[sflag:s21] =	ssyncadd.s32 $0xFFFFC000  }
0xe5: {  	[spmem:s3] =	stream.indirect.scatter.add.f32 [tilespmem:s18], [sflag:$0x3], $0x80, s22, s17, $0xb8;
	[tilespmem:$0x1C400] =	vst v63  }
0xe6: {  	_ =	swait.ge [sflag:s15], $0x4000  }
0xe7: {  	[sflag:s15] =	ssyncset.done $0x0  }
0xe8: {  	[sflag:s15] =	ssyncadd.s32 $0xFFFFC000  }
0xe9: {  	[tilespmem:s18], [sflag:$0x2] =	stream.indirect.gather [hbm4b:s2+s17], $0x80, s23, s17, $0xb8;
	[tilespmem:$0x1C400] =	vst v63  }
0xea: {  	_ =	swait.ge [sflag:s19], $0x4000  }
0xeb: {  	[sflag:s19] =	ssyncset.done $0x0  }
0xec: {  	[sflag:s19] =	ssyncadd.s32 $0xFFFFC000  }
0xed: {  	[spmem:s3] =	stream.indirect.scatter.add.f32 [tilespmem:s14], [sflag:$0x3], $0x80, s24, s17, $0xb8;
	[tilespmem:$0x1C400] =	vst v63  }
0xee: {  	_ =	swait.ge [sflag:s15], $0x4000  }
0xef: {  	[sflag:s15] =	ssyncset.done $0x0  }
0xf0: {  	[sflag:s15] =	ssyncadd.s32 $0xFFFFC000  }
0xf1: {  	[tilespmem:s14], [sflag:$0x1] =	stream.indirect.gather [hbm4b:s2+s17], $0x80, s25, s17, $0xb8;
	[tilespmem:$0x1C400] =	vst v63  }
0xf2: {  	_ =	swait.ge [sflag:s21], $0x4000  }
0xf3: {  	[sflag:s21] =	ssyncset.done $0x0  }
0xf4: {  	[sflag:s21] =	ssyncadd.s32 $0xFFFFC000  }
0xf5: {  	[spmem:s3] =	stream.indirect.scatter.add.f32 [tilespmem:s18], [sflag:$0x3], $0x80, s26, s17, $0xb8;
	[tilespmem:$0x1C400] =	vst v63  }
0xf6: {  	_ =	swait.ge [sflag:s15], $0x4000  }
0xf7: {  	[sflag:s15] =	ssyncset.done $0x0  }
0xf8: {  	[sflag:s15] =	ssyncadd.s32 $0xFFFFC000  }
0xf9: {  	[tilespmem:s18], [sflag:$0x2] =	stream.indirect.gather [hbm4b:s2+s17], $0x80, s28, s17, $0xb8;
	[tilespmem:$0x1C400] =	vst v63  }
0xfa: {  	_ =	swait.ge [sflag:s19], $0x4000  }
0xfb: {  	[sflag:s19] =	ssyncset.done $0x0  }
0xfc: {  	[sflag:s19] =	ssyncadd.s32 $0xFFFFC000  }
0xfd: {  	[spmem:s3] =	stream.indirect.scatter.add.f32 [tilespmem:s14], [sflag:$0x3], $0x80, s29, s17, $0xb8;
	[tilespmem:$0x1C400] =	vst v63  }
0xfe: {  	_ =	swait.ge [sflag:s15], $0x4000  }
0xff: {  	[sflag:s15] =	ssyncset.done $0x0  }
0x100: {  	[sflag:s15] =	ssyncadd.s32 $0xFFFFC000  }
0x101: {  	[tilespmem:s14], [sflag:$0x1] =	stream.indirect.gather [hbm4b:s2+s17], $0x80, s30, s17, $0xb8;
	[tilespmem:$0x1C400] =	vst v63  }
0x102: {  	_ =	swait.ge [sflag:s21], $0x4000  }
0x103: {  	[sflag:s21] =	ssyncset.done $0x0  }
0x104: {  	[sflag:s21] =	ssyncadd.s32 $0xFFFFC000  }
0x105: {  	[spmem:s3] =	stream.indirect.scatter.add.f32 [tilespmem:s18], [sflag:$0x3], $0x80, s31, s17, $0xb8;
	[tilespmem:$0x1C400] =	vst v63  }
0x106: {  	_ =	swait.ge [sflag:s15], $0x4000  }
0x107: {  	[sflag:s15] =	ssyncset.done $0x0  }
0x108: {  	[sflag:s15] =	ssyncadd.s32 $0xFFFFC000  }
0x109: {  	[tilespmem:s18], [sflag:$0x2] =	stream.indirect.gather [hbm4b:s2+s17], $0x80, s0, s17, $0xb8;
	[tilespmem:$0x1C400] =	vst v63  }
0x10a: {  	_ =	swait.ge [sflag:s19], $0x4000  }
0x10b: {  	[sflag:s19] =	ssyncset.done $0x0  }
0x10c: {  	[sflag:s19] =	ssyncadd.s32 $0xFFFFC000  }
0x10d: {  	[spmem:s3] =	stream.indirect.scatter.add.f32 [tilespmem:s14], [sflag:$0x3], $0x80, s1, s17, $0xb8;
	[tilespmem:$0x1C400] =	vst v63  }
0x10e: {  	_ =	swait.ge [sflag:s15], $0x4000  }
0x10f: {  	[sflag:s15] =	ssyncset.done $0x0  }
0x110: {  	[sflag:s15] =	ssyncadd.s32 $0xFFFFC000  }
0x111: {  	_ =	swait.ge [sflag:s21], $0x4000  }
0x112: {  	[sflag:s21] =	ssyncset.done $0x0  }
0x113: {  	[sflag:s21] =	ssyncadd.s32 $0xFFFFC000  }
0x114: {  	[spmem:s3] =	stream.indirect.scatter.add.f32 [tilespmem:s18], [sflag:$0x3], $0x80, s6, s17, $0xb8;
	[tilespmem:$0x1C400] =	vst v63  }
0x115: {  	_ =	swait.ge [sflag:s15], $0x4000  }
0x116: {  	[sflag:s15] =	ssyncset.done $0x0  }
0x117: {  	[sflag:s15] =	ssyncadd.s32 $0xFFFFC000  }
0x118: {  	s10 =	stileid.u32;
	[bflag:$0x0] =	sbarrier.arrive $0xFFFF  }
0x119: {  	s5 =	sshll.u32 s10, $0x6;
	s10 =	rddreg [dreg:$0x4]  }
0x11a: {  	s5 =	sor.u32 $0x1C03, s5;
	s9 =	rddreg [dreg:$0x6];
	s11 =	sshrl.u32 s10, $0x3  }
0x11b: {  	[hbm:s9], [sflag:s5] =	dma.local [spmem:s11], $0x2780  }
0x11c: {  	_ =	swait.ge [sflag:s15], $0x2780  }
0x11d: {  	s7 =	sadd.s32 $0x1, s7;
	s11 =	rddreg [dreg:$0x7]  }
0x11e: {  	p0 =	sne.s32 s7, s11  }
.Ltmp2:
0x11f: {  	_ = 	snop;
	(pc) =	sbr.rel @p0 .LBB2_1-.Ltmp2, $3  }
0x120: {  	_ =	sdelay $0x1  }
0x121: {  	[sflag:s15] =	ssyncset.done $0x0  }
0x122: {  	[sflag:s15] =	ssyncadd.s32 $0xFFFFD880  }
0x123: {  	_ =	sfence.sel $0x180000  }
0x124: {  	[bflag:$0x0] =	sbarrier.arrive $0xFFFF  }
0x125: {  	_ =	strace $0x9000004A  }
0x126: {  	s0 =	stileid.u32;
	[bflag:$0x2] =	sbarrier.arrive $0xFFFF  }
0x127: {  	p0 =	sne.s32 s0, $0x0;
	s0 =	rddreg [dreg:$0x3]  }
0x128: {  	s0 =	sadd.s32 @!p0 $0x100000, s0  }
0x129: {  	[sflag:s0] =	ssyncadd.tile.s32 @!p0 $0x1;
	_ =	shalt  }
.Lfunc_end2:
_tile_overlayer_lowered:
.L_overlay_start_2:
0x12a: {  	(tag) =	ssettag $0x2  }
0x12b: {  	s0 =	rddreg [dreg:$0x0];
	s2 =	stileid.u32  }
0x12c: {  	s1 =	rddreg [dreg:$0x1];
	p0 =	sne.s32 s2, $0x0  }
0x12d: {  	s3 =	rddreg [dreg:$0x2];
	[bflag:$0x3] =	sbarrier.arrive $0xFFFF;
	s2 =	simm.s32 @!p0 $0x1C03  }
0x12e: {  	[timem:s3], [sflag:s2] =	dma.local @!p0 [hbm:s0], s1  }
0x12f: {  	s0 =	simm.s32 @!p0 $0x3  }
0x130: {  	_ =	swait.ge @!p0 [sflag:s0], s1  }
0x131: {  	s1 =	ssub.s32 @!p0 $0x0, s1;
	[sflag:s0] =	ssyncset.done @!p0 $0x0  }
0x132: {  	[sflag:s0] =	ssyncadd.s32 @!p0 s1  }
0x133: {  	[bflag:$0x3] =	sbarrier.arrive $0xFFFF  }
0x134: {  	_ =	shalt  }

// kernel: kernel.7.cloned.1.call-start
scs
__scs_entry_jumppad:
0x0: {  	(pc) =	sbr.rel $0x88, $3  }
0x1: {  	(tag) =	ssettag $0x0;
	lr =	simm.s32 $0x1  }
0x2: {  	[smem:$0x3F9C] =	sst lr;
	_ =	strace $0xD0000000  }
0x3: {  	_ = 	snop  }
0x4: {  	_ = 	snop  }
0x5: {  	_ = 	snop  }
0x6: {  	_ = 	snop  }
0x7: {  	_ = 	snop  }
__scs_overlays_trampoline_lowered:
0x8: {  	[smem:$0x3FAB] =	sst s0  }
0x9: {  	[smem:$0x3FAC] =	sst s1  }
0xa: {  	[smem:$0x3FAD] =	sst s2  }
0xb: {  	[smem:$0x3FAE] =	sst s3  }
0xc: {  	[smem:$0x3FAF] =	sst s4  }
0xd: {  	[smem:$0x3FB0] =	sst s5  }
0xe: {  	[smem:$0x3FB1] =	sst s6  }
0xf: {  	[smem:$0x3FB2] =	sst s7  }
0x10: {  	[smem:$0x3FB3] =	sst s8  }
0x11: {  	[smem:$0x3FB4] =	sst s9;
	s0 =	simm.s32 @!p0 $0x0  }
0x12: {  	s1 =	sld [smem:$0x3F9A];
	s0 =	simm.s32 @p0 $0x1  }
0x13: {  	[smem:$0x3FB5] =	sst s0;
	s0 =	simm.s32 @!p1 $0x0  }
0x14: {  	s2 =	sld [smem:$0x3F99];
	s0 =	simm.s32 @p1 $0x1  }
0x15: {  	[smem:$0x3FB6] =	sst s0;
	s0 =	simm.s32 @!p2 $0x0  }
0x16: {  	s3 =	sld [smem:$0x3FDB];
	s0 =	simm.s32 @p2 $0x1  }
0x17: {  	s4 =	simm.s32 $0x1BF5;
	[smem:$0x3FB8] =	sst s0  }
0x18: {  	s0 =	sld [smem:$0x3F9B];
	_ =	swait.ge [sflag:s4], $0x0  }
0x19: {  	s7 =	sld [smem:$0x3F9C]  }
0x1a: {  	s8 =	sadd.s32 $0xFFFFE003, lr  }
0x1b: {  	s9 =	sadd.s32 $0xFFFFFEF7, lr;
	s5 =	simm.s32 $0xFFFFFFFF;
	p2 =	slt.u32 s8, $0xFFFFF086  }
0x1c: {  	p1 =	slt.u32 s9, $0xF7A;
	s5 =	simm.s32 @!p2 $0x0  }
0x1d: {  	s5 =	simm.s32 @p1 $0x1;
	p0 =	seq.s32 s7, s2  }
0x1e: {  	s7 =	smul.u32 @!p0 $0xF7A, s2;
	p2 =	seq.s32 @!p0 s5, $0x0  }
0x1f: {  	s9 =	smul.u32 $0xF7A, s1;
	s8 =	simm.s32 @!p0 $0x1BF5;
	p2 =	por !p2, p0  }
0x20: {  	[sflag:s8] =	ssyncset.s32 @!p0 $0xFFFFF086;
	s6 =	sadd.s32 @!p0 s3, s7;
	s7 =	simm.s32 @!p0 $0x108  }
0x21: {  	s3 =	sadd.s32 s3, s9;
	s6 =	sadd.s32 @!p0 $0x88, s6;
	s7 =	simm.s32 @p2 $0x1082  }
0x22: {  	[simem:s7], [sflag:s8] =	dma.local @!p0 [hbm:s6], $0xF7A  }
0x23: {  	s9 =	sor.u32 $0xD0000000, s2;
	s6 =	simm.s32 $0x108;
	_ =	swait.ge @!p0 [sflag:s8], $0x0  }
0x24: {  	s3 =	sadd.s32 $0x88, s3;
	s6 =	simm.s32 @!p1 $0x1082;
	[sflag:s4] =	ssyncset.s32 $0xFFFFF086  }
0x25: {  	[simem:s6], [sflag:s4] =	dma.local [hbm:s3], $0xF7A  }
0x26: {  	[smem:$0x3F9C] =	sst s1;
	(tag) =	ssettag s2;
	_ =	strace s9  }
0x27: {  	s1 =	sld [smem:$0x3FAC]  }
0x28: {  	s2 =	sld [smem:$0x3FAD]  }
0x29: {  	s4 =	sld [smem:$0x3FAF]  }
0x2a: {  	p0 =	seq.s32 s5, $0x0;
	s5 =	sld [smem:$0x3FB0]  }
0x2b: {  	s6 =	sld [smem:$0x3FB1]  }
0x2c: {  	s7 =	sld [smem:$0x3FB2]  }
0x2d: {  	s3 =	simm.s32 $0x108;
	s8 =	sld [smem:$0x3FB3]  }
0x2e: {  	s3 =	simm.s32 @!p0 $0x1082;
	s9 =	sld [smem:$0x3FB4]  }
0x2f: {  	lr =	sadd.s32 s0, s3;
	s0 =	sld [smem:$0x3FAB]  }
0x30: {  	s3 =	sld [smem:$0x3FAE]  }
0x31: {  	[smem:$0x3FB7] =	sst s10  }
0x32: {  	s10 =	sld [smem:$0x3FB5];
	_ =	sdelay $0x3  }
0x33: {  	p0 =	seq.s32 s10, $0x1;
	s10 =	sld [smem:$0x3FB7];
	_ =	sdelay $0x3  }
0x34: {  	[smem:$0x3FB7] =	sst s10  }
0x35: {  	s10 =	sld [smem:$0x3FB6];
	_ =	sdelay $0x3  }
0x36: {  	p1 =	seq.s32 s10, $0x1;
	s10 =	sld [smem:$0x3FB7];
	_ =	sdelay $0x3  }
0x37: {  	[smem:$0x3FB7] =	sst s10  }
0x38: {  	s10 =	sld [smem:$0x3FB8]  }
0x39: {  	_ = 	snop;
	(pc) =	sbr.ind lr, $3  }
0x3a: {  	_ = 	snop  }
0x3b: {  	_ = 	snop  }
0x3c: {  	p2 =	seq.s32 s10, $0x1;
	s10 =	sld [smem:$0x3FB7]  }
0x3d: {  	_ =	shalt  }
0x3e: {  	_ =	shalt  }
0x3f: {  	_ =	shalt  }
0x40: {  	_ =	shalt  }
0x41: {  	_ =	shalt  }
0x42: {  	_ =	shalt  }
0x43: {  	_ =	shalt  }
0x44: {  	_ =	shalt  }
0x45: {  	_ =	shalt  }
0x46: {  	_ =	shalt  }
0x47: {  	_ =	shalt  }
0x48: {  	_ =	shalt  }
0x49: {  	_ =	shalt  }
0x4a: {  	_ =	shalt  }
0x4b: {  	_ =	shalt  }
0x4c: {  	_ =	shalt  }
0x4d: {  	_ =	shalt  }
0x4e: {  	_ =	shalt  }
0x4f: {  	_ =	shalt  }
0x50: {  	_ =	shalt  }
0x51: {  	_ =	shalt  }
0x52: {  	_ =	shalt  }
0x53: {  	_ =	shalt  }
0x54: {  	_ =	shalt  }
0x55: {  	_ =	shalt  }
0x56: {  	_ =	shalt  }
0x57: {  	_ =	shalt  }
0x58: {  	_ =	shalt  }
0x59: {  	_ =	shalt  }
0x5a: {  	_ =	shalt  }
0x5b: {  	_ =	shalt  }
0x5c: {  	_ =	shalt  }
0x5d: {  	_ =	shalt  }
0x5e: {  	_ =	shalt  }
0x5f: {  	_ =	shalt  }
0x60: {  	_ =	shalt  }
0x61: {  	_ =	shalt  }
0x62: {  	_ =	shalt  }
0x63: {  	_ =	shalt  }
0x64: {  	_ =	shalt  }
0x65: {  	_ =	shalt  }
0x66: {  	_ =	shalt  }
0x67: {  	_ =	shalt  }
0x68: {  	_ =	shalt  }
0x69: {  	_ =	shalt  }
0x6a: {  	_ =	shalt  }
0x6b: {  	_ =	shalt  }
0x6c: {  	_ =	shalt  }
0x6d: {  	_ =	shalt  }
0x6e: {  	_ =	shalt  }
0x6f: {  	_ =	shalt  }
0x70: {  	_ =	shalt  }
0x71: {  	_ =	shalt  }
0x72: {  	_ =	shalt  }
0x73: {  	_ =	shalt  }
0x74: {  	_ =	shalt  }
0x75: {  	_ =	shalt  }
0x76: {  	_ =	shalt  }
0x77: {  	_ =	shalt  }
0x78: {  	_ =	shalt  }
0x79: {  	_ =	shalt  }
0x7a: {  	_ =	shalt  }
0x7b: {  	_ =	shalt  }
0x7c: {  	_ =	shalt  }
0x7d: {  	_ =	shalt  }
0x7e: {  	_ =	shalt  }
0x7f: {  	_ =	shalt  }
0x80: {  	_ =	shalt  }
0x81: {  	_ =	shalt  }
0x82: {  	_ =	shalt  }
0x83: {  	_ =	shalt  }
0x84: {  	_ =	shalt  }
0x85: {  	_ =	shalt  }
0x86: {  	_ =	shalt  }
0x87: {  	_ =	shalt  }
.Lfunc_end0:
.L_simem_size_0:
called_computation_lowered:
.L_overlay_start_0:
0x88: {  	s2 =	sld [smem:$0x3FD9]  }
0x89: {  	s3 =	sld [smem:$0x3FFE];
	_ =	sdelay $0x1  }
0x8a: {  	s1 =	srdreg.scid  }
0x8b: {  	s0 =	sand.u32 $0x1, s1  }
0x8c: {  	s16 =	sshll.u32 s0, $0xA;
	s2 =	sadd.s32 s3, s2  }
0x8d: {  	s2 =	sadd.s32 s2, s16  }
0x8e: {  	[smem:$0x3FC3] =	sst s2  }
0x8f: {  	_ = 	snop  }
0x90: {  	(tm) =	ssettm $0x1  }
0x91: {  	s17 =	sld [smem:$0x3FFB];
	_ =	sdelay $0x3  }
0x92: {  	_ =	strace s17  }
0x93: {  	s2 =	sld [smem:$0x3FFC];
	_ =	sdelay $0x3  }
0x94: {  	_ =	strace s2  }
0x95: {  	s2 =	sld [smem:$0x3FFD];
	_ =	sdelay $0x3  }
0x96: {  	_ =	strace s2  }
0x97: {  	_ =	strace $0x8FFFFFFF  }
0x98: {  	s18 =	sld [smem:$0x3FDB];
	_ =	sdelay $0x1  }
0x99: {  	s19 =	simm.s32 $_scs_section_size  }
0x9a: {  	s4 =	simm.s32 $_size__tile_overlayer_lowered;
	s5 =	simm.s32 $_tile_overlayer_lowered  }
0x9b: {  	s22 =	simm.s32 $0x1BFF;
	s21 =	sshll.u32 s5, $0x1;
	s2 =	sadd.s32 s19, s18  }
0x9c: {  	s6 =	simm.s32 $0x0;
	s20 =	sshll.u32 s4, $0x1;
	s4 =	sadd.s32 s21, s2  }
0x9d: {  	[timem:s6], [sflag:s22] =	dma.local [hbm:s4], s20  }
0x9e: {  	_ =	swait.ge [sflag:s22], s20  }
0x9f: {  	s3 =	ssub.s32 $0x0, s20;
	[sflag:s22] =	ssyncset.done $0x0  }
0xa0: {  	[sflag:s22] =	ssyncadd.s32 s3;
	_ =	sdelay $0x1  }
0xa1: {  	s23 =	simm.s32 $0x1B8B  }
0xa2: {  	_ =	swait.ge [sflag:s23], $0x1  }
0xa3: {  	[sflag:s23] =	ssyncset.done $0x0  }
0xa4: {  	s25 =	simm.s32 $0x1B8E;
	s24 =	sld [smem:$0x3FFE];
	[sflag:s23] =	ssyncadd.s32 $0xFFFFFFFF  }
0xa5: {  	s26 =	simm.s32 $execute0_lowered;
	[smem:$0x3FD2] =	sst s25  }
0xa6: {  	s4 =	sshll.u32 s26, $0x1;
	_ =	strace $0x80000046;
	[dreg:$0x1] =	wrdreg $0xFFFFFFFF  }
0xa7: {  	s28 =	simm.s32 $_size_execute0_lowered;
	s2 =	sadd.s32 s2, s4;
	[dreg:$0x0] =	wrdreg $0x0  }
0xa8: {  	s4 =	sshll.u32 s28, $0x1;
	[dreg:$0x2] =	wrdreg s2  }
0xa9: {  	[dreg:$0x3] =	wrdreg s4  }
0xaa: {  	[dreg:$0x4] =	wrdreg $0xC0  }
0xab: {  	_ =	task [dreg:s6], $0x5FFFF  }
0xac: {  	[dreg:$0x1] =	wrdreg $0xFFFFFFFF  }
0xad: {  	[dreg:$0x0] =	wrdreg $0x60  }
0xae: {  	[dreg:$0x2] =	wrdreg s24  }
0xaf: {  	[dreg:$0x3] =	wrdreg $0x9  }
0xb0: {  	_ =	task.clear_ibuf [dreg:s6], $0x4FFFF;
	_ =	strace $0x90000046  }
0xb1: {  	s29 =	simm.s32 $0x9;
	_ =	strace $0x80000048  }
0xb2: {  	_ =	swait.ge [sflag:s29], $0x1  }
0xb3: {  	[sflag:s29] =	ssyncadd.s32 $0xFFFFFFFF  }
0xb4: {  	_ =	strace $0x90000048  }
0xb5: {  	_ =	sfence  }
0xb6: {  	s30 =	sld [smem:$0x0];
	_ =	sdelay $0x2  }
0xb7: {  	s31 =	sshll.u32 s1, $0xD;
	s1 =	sshrl.u32 s1, $0x2  }
0xb8: {  	s3 =	sand.u32 $0x4000, s31;
	s1 =	sadd.s32 s1, s30  }
0xb9: {  	s0 =	sor.u32 s3, s0;
	s1 =	sshll.u32 s1, $0x11  }
0xba: {  	s0 =	sor.u32 s1, s0  }
0xbb: {  	s0 =	sadd.s32 $0x8F2B, s0  }
0xbc: {  	[sflag:s0] =	ssyncadd.remote.s32 $0x1  }
0xbd: {  	_ =	sfence.sel $0xFFFF  }
0xbe: {  	[dreg:$0x0] =	wrdreg $0xFFFFFFFF;
	(pc) =	sbr.abs _section_cstart, $3  }
0xbf: {  	[dreg:$0x1] =	wrdreg $0xFFFFFFFF  }
0xc0: {  	_ =	task.clear_ibuf [dreg:s6], $0x2FFFF;
	_ =	strace $0x9FFFFFFF  }
0xc1: {  	(tm) =	ssettm $0x7FFFFFFF  }
tec
execute0_lowered:
.L_overlay_start_1:
0x0: {  	(tag) =	ssettag $0x1  }
0x1: {  	s0 =	srdreg.scid  }
0x2: {  	s4 =	rddreg [dreg:$0x0];
	s3 =	sand.u32 $0x1, s0  }
0x3: {  	s1 =	stileid.u32;
	s7 =	simm.s32 $0x2800;
	s2 =	sshll.u32 s3, $0x4  }
0x4: {  	s0 =	rddreg [dreg:$0x1];
	s3 =	ssub.s32 $0x2, s3;
	s5 =	sor.u32 s1, s2  }
0x5: {  	s2 =	simm.s32 $0x0;
	s6 =	sshrl.u32 s3, $0x1;
	s5 =	smul.u32 $0x500, s5  }
0x6: {  	s8 =	simm.s32 $0x0;
	[smem:$0x7FF] =	sst s2;
	s31 =	ssub.s32 s3, s6  }
0x7: {  	s6 =	simm.s32 $0x1;
	_ =	strace $0x80000047;
	s4 =	sadd.s32 s5, s4  }
0x8: {  	v0 =	vimm.f32 $0.0e+00;
	v1 =	vimm.f32 $1.000000000e+00;
	s5 =	smax.u32 s31, $0x1;
	s3 =	sadd.s32 $0x1800, s4;
	s4 =	sadd.s32 $0x15800, s4  }
.LBB2_1:
0x9: {  	s9 =	simm.s32 $0x0;
	s10 =	simm.s32 $0x200  }
.LBB2_2:
0xa: {  	p0 =	sne.s32 s10, $0x9E00;
	[tilespmem:s9+$0x2870] =	vst v0  }
0xb: {  	[tilespmem:s9+$0x2800] =	vst v0  }
0xc: {  	[tilespmem:s9+$0x2810] =	vst v0  }
.Ltmp0:
0xd: {  	[tilespmem:s9+$0x2820] =	vst v0;
	(pc) =	sbr.rel @p0 .LBB2_2-.Ltmp0, $4  }
0xe: {  	[tilespmem:s9+$0x2830] =	vst v0  }
0xf: {  	[tilespmem:s9+$0x2840] =	vst v0  }
0x10: {  	[tilespmem:s9+$0x2850] =	vst v0  }
0x11: {  	[tilespmem:s9+$0x2860] =	vst v0;
	s9 =	sshra.s32 s10, $0x2;
	s10 =	sadd.s32 $0x200, s10  }
0x12: {  	[tilespmem:s9+$0x2870] =	vst v0  }
0x13: {  	[tilespmem:s9+$0x2800] =	vst v0  }
0x14: {  	[tilespmem:s9+$0x2810] =	vst v0  }
0x15: {  	[tilespmem:s9+$0x2820] =	vst v0  }
0x16: {  	[tilespmem:s9+$0x2830] =	vst v0  }
0x17: {  	[tilespmem:s9+$0x2840] =	vst v0  }
0x18: {  	[tilespmem:s9+$0x2850] =	vst v0  }
0x19: {  	[tilespmem:s9+$0x2860] =	vst v0;
	s9 =	simm.s32 $0x0  }
0x1a: {  	[tilespmem:s9], [sflag:$0x1] =	stream.linear.gather [hbm4b:s3+s9], $0x2800, $0x38;
	[tilespmem:$0x5000] =	vst v63  }
0x1b: {  	_ =	swait.ge [sflag:s6], $0x2800  }
0x1c: {  	[sflag:s6] =	ssyncset.done $0x0  }
0x1d: {  	[sflag:s6] =	ssyncadd.s32 $0xFFFFD800  }
.LBB2_4:
0x1e: {  	s10 =	sshra.s32 s9, $0x2  }
0x1f: {  	v2 =	vld [tilespmem:s10+$0x0];
	_ =	sdelay $0x7  }
0x20: {  	[tilespmem:v2+s7+$0x0] =	vst.idx.add.f32.msk $0xffff, v1  }
0x21: {  	v2 =	vld [tilespmem:s10+$0x10];
	_ =	sdelay $0x7  }
0x22: {  	[tilespmem:v2+s7+$0x0] =	vst.idx.add.f32.msk $0xffff, v1  }
0x23: {  	v2 =	vld [tilespmem:s10+$0x20];
	_ =	sdelay $0x7  }
0x24: {  	[tilespmem:v2+s7+$0x0] =	vst.idx.add.f32.msk $0xffff, v1  }
0x25: {  	v2 =	vld [tilespmem:s10+$0x30];
	_ =	sdelay $0x7  }
0x26: {  	[tilespmem:v2+s7+$0x0] =	vst.idx.add.f32.msk $0xffff, v1  }
0x27: {  	v2 =	vld [tilespmem:s10+$0x40];
	_ =	sdelay $0x7  }
0x28: {  	[tilespmem:v2+s7+$0x0] =	vst.idx.add.f32.msk $0xffff, v1  }
0x29: {  	v2 =	vld [tilespmem:s10+$0x50];
	_ =	sdelay $0x7  }
0x2a: {  	[tilespmem:v2+s7+$0x0] =	vst.idx.add.f32.msk $0xffff, v1  }
0x2b: {  	v2 =	vld [tilespmem:s10+$0x60];
	_ =	sdelay $0x7  }
0x2c: {  	[tilespmem:v2+s7+$0x0] =	vst.idx.add.f32.msk $0xffff, v1  }
0x2d: {  	v2 =	vld [tilespmem:s10+$0x70];
	_ =	sdelay $0x2  }
0x2e: {  	p0 =	sne.s32 s9, $0x9E00  }
.Ltmp1:
0x2f: {  	_ = 	snop;
	(pc) =	sbr.rel @p0 .LBB2_4-.Ltmp1, $2  }
0x30: {  	_ =	sdelay $0x2  }
0x31: {  	s9 =	sadd.s32 $0x200, s9;
	[tilespmem:v2+s7+$0x0] =	vst.idx.add.f32.msk $0xffff, v1  }
0x32: {  	s8 =	sadd.s32 $0x1, s8  }
0x33: {  	p0 =	sne.s32 s8, s5  }
.Ltmp2:
0x34: {  	_ = 	snop;
	(pc) =	sbr.rel @p0 .LBB2_1-.Ltmp2, $4  }
0x35: {  	[hbm4b:s4+s2] =	stream.linear.scatter [tilespmem:s7], [sflag:$0x1], $0x2800, $0x38;
	[tilespmem:$0x5000] =	vst v63  }
0x36: {  	_ =	swait.ge [sflag:s6], $0x2800  }
0x37: {  	[sflag:s6] =	ssyncset.done $0x0  }
0x38: {  	[sflag:s6] =	ssyncadd.s32 $0xFFFFD800  }
0x39: {  	_ =	sfence.sel $0x180000  }
0x3a: {  	[bflag:$0x0] =	sbarrier.arrive $0xFFFF  }
0x3b: {  	p0 =	sne.s32 s1, $0x0;
	_ =	strace $0x90000047  }
0x3c: {  	s0 =	sadd.s32 @!p0 $0x100000, s0;
	[bflag:$0x2] =	sbarrier.arrive $0xFFFF  }
0x3d: {  	[sflag:s0] =	ssyncadd.tile.s32 @!p0 $0x1;
	_ =	shalt  }
.Lfunc_end2:
_tile_overlayer_lowered:
.L_overlay_start_2:
0x3e: {  	(tag) =	ssettag $0x2  }
0x3f: {  	s0 =	rddreg [dreg:$0x0];
	s2 =	stileid.u32  }
0x40: {  	s1 =	rddreg [dreg:$0x1];
	p0 =	sne.s32 s2, $0x0  }
0x41: {  	s3 =	rddreg [dreg:$0x2];
	[bflag:$0x3] =	sbarrier.arrive $0xFFFF;
	s2 =	simm.s32 @!p0 $0x1C01  }
0x42: {  	[timem:s3], [sflag:s2] =	dma.local @!p0 [hbm:s0], s1  }
0x43: {  	s0 =	simm.s32 @!p0 $0x1  }
0x44: {  	_ =	swait.ge @!p0 [sflag:s0], s1  }
0x45: {  	s1 =	ssub.s32 @!p0 $0x0, s1;
	[sflag:s0] =	ssyncset.done @!p0 $0x0  }
0x46: {  	[sflag:s0] =	ssyncadd.s32 @!p0 s1  }
0x47: {  	[bflag:$0x3] =	sbarrier.arrive $0xFFFF  }
0x48: {  	_ =	shalt  }

</sc_bundles>
